<compile_context>
chip_gen: v7x
topology: tpu7x:2x2x1
jax: 0.10.2.dev20260603
libtpu: 0.0.44.dev20260713+nightly
codegen_flags: <defaults>
</compile_context>

<pallas_src>
import functools

import jax
import jax.numpy as jnp
from jax import lax
from jax.experimental import pallas as pl
from jax.experimental.pallas import tpu as pltpu
from jax.experimental.pallas import tpu_sc as plsc

B = 16384
DX = 120
DU = 8
NV = 600

_NC, _NS = 2, 16
_NW = _NC * _NS
_BPW = B // _NW


def _sc_fused(idx_hbm, tabt_hbm, w_hbm, ut_hbm, su_hbm, idx_v, tab_v, w_v,
              wtail_v, rowst_v, su_v):
    wid = lax.axis_index("s") * _NC + lax.axis_index("c")
    base = wid * _BPW
    pltpu.sync_copy(idx_hbm.at[pl.ds(base, _BPW)], idx_v)
    pltpu.sync_copy(tabt_hbm, tab_v)
    pltpu.sync_copy(w_hbm, w_v)

    vsum = (w_v[0, pl.ds(112, 16)] + w_v[1, pl.ds(112, 16)]
            + w_v[2, pl.ds(112, 16)] + w_v[3, pl.ds(112, 16)]) * 0.25
    wtail_v[...] = vsum
    wcs = [
        plsc.load_gather(wtail_v, [jnp.full((16,), 8 + c, jnp.int32)])
        for c in range(DU)
    ]

    cvecs = [jnp.full((16,), c, jnp.int32) for c in range(DU)]

    @plsc.parallel_loop(0, _BPW, step=16, unroll=4)
    def _loop(row0):
        idx16 = idx_v[pl.ds(row0, 16)]
        acc = jnp.zeros((16,), jnp.float32)
        for c in range(DU):
            vals = plsc.load_gather(tab_v, [cvecs[c], idx16])
            acc = acc + vals * wcs[c]
            rowst_v[c, pl.ds(row0, 16)] = vals
        su_v[pl.ds(row0, 16)] = acc
    pltpu.sync_copy(su_v, su_hbm.at[pl.ds(base, _BPW)])
    for c in range(DU):
        pltpu.sync_copy(rowst_v.at[c], ut_hbm.at[c, pl.ds(base, _BPW)])


def _make_sc_call():
    return functools.partial(
        pl.kernel,
        mesh=plsc.VectorSubcoreMesh(core_axis_name="c", subcore_axis_name="s"),
        out_type=(
            jax.ShapeDtypeStruct((DU, B), jnp.float32),
            jax.ShapeDtypeStruct((B,), jnp.float32),
        ),
        scratch_types=[
            pltpu.VMEM((_BPW,), jnp.int32),
            pltpu.VMEM((DU, NV), jnp.float32),
            pltpu.VMEM((4, 128), jnp.float32),
            pltpu.VMEM((16,), jnp.float32),
            pltpu.VMEM((DU, _BPW), jnp.float32),
            pltpu.VMEM((_BPW,), jnp.float32),
        ],
        compiler_params=pltpu.CompilerParams(
            use_tc_tiling_on_sc=False, needs_layout_passes=False),
    )(_sc_fused)


def _tc_matvec(xt_ref, w_ref, b_ref, out_ref):
    wavg = jnp.sum(w_ref[...], axis=0, keepdims=True) * 0.25
    b_avg = jnp.sum(b_ref[...]) * 0.25
    sx = lax.dot_general(
        wavg[:, :DX], xt_ref[...], (((1,), (0,)), ((), ())),
        preferred_element_type=jnp.float32)
    out_ref[...] = sx[0] + b_avg


def _tc_add(a_ref, b_ref, out_ref):
    out_ref[...] = a_ref[...] + b_ref[...]


def kernel(x, row_idx, u_table, W, b):
    idx = row_idx.astype(jnp.int32)
    ut, su = _make_sc_call()(idx, u_table.T, W)
    u = ut.T

    xt = x.T
    blk = 4096
    partial = pl.pallas_call(
        _tc_matvec,
        grid=(B // blk,),
        in_specs=[
            pl.BlockSpec((DX, blk), lambda i: (0, i)),
            pl.BlockSpec((4, 128), lambda i: (0, 0)),
            pl.BlockSpec((4,), lambda i: (0,)),
        ],
        out_specs=pl.BlockSpec((blk,), lambda i: (i,)),
        out_shape=jax.ShapeDtypeStruct((B,), jnp.float32),
    )(xt, W, b)

    out = pl.pallas_call(
        _tc_add,
        in_specs=[
            pl.BlockSpec((B,), lambda: (0,)),
            pl.BlockSpec((B,), lambda: (0,)),
        ],
        out_specs=pl.BlockSpec((B,), lambda: (0,)),
        out_shape=jax.ShapeDtypeStruct((B,), jnp.float32),
    )(partial, su)
    return (out, u)

# --- scband reference (transcript-rebuilt; emitter-appended) ---
"""Pipeline reference for scband-inference-net-65867618452189 (READ-ONLY COPY).

The authoritative reference and input builder live on the scoring server;
editing this copy changes nothing except your own understanding.
"""

import jax, jax.numpy as jnp
import numpy as np

N_MODELS = 4


def setup_inputs(seed: int = 0) -> dict:
    key = jax.random.key(seed)
    k1, k2, k3, k4, k5 = jax.random.split(key, 5)
    x = jax.random.normal(k1, (16384, 120), dtype=jnp.float32)
    row_idx = jax.random.randint(k2, (16384,), 0, 600, dtype=jnp.int64)
    u_table = jax.random.normal(k3, (600, 8), dtype=jnp.float32)
    # ensemble of trained linear models mapping concat dim 128 -> scalar
    W = jax.random.normal(k4, (N_MODELS, 128), dtype=jnp.float32) * 0.05
    b = jax.random.normal(k5, (N_MODELS,), dtype=jnp.float32) * 0.05
    return {"x": x, "row_idx": row_idx, "u_table": u_table, "W": W, "b": b}


def reference(x, row_idx, u_table, W, b):
    # u = self.u(row_idx)  -- embedding lookup
    u = jnp.take(u_table, row_idx, axis=0)
    # inp = torch.cat([x, u], axis=1)
    inp = jnp.concatenate([x, u], axis=1)
    n = W.shape[0]
    out = None
    for i in range(n):
        contrib = (inp @ W[i] + b[i]) / n
        out = contrib if out is None else out + contrib
    return (out.reshape(-1), u)

if __name__ == "__main__":
    import jax
    _d = setup_inputs()
    print(jax.jit(kernel)(*tuple(_d.values())))

</pallas_src>

<mosaic_0001>
#map = affine_map<(d0, d1) -> (0)>
#map1 = affine_map<(d0, d1) -> (0, 0)>
module attributes {stable_mosaic.version = 14 : i64} {
  func.func @_sc_fused(%arg0: i32, %arg1: i32, %arg2: memref<16384xi32, #tpu.memory_space<hbm>>, %arg3: memref<8x600xf32, #tpu.memory_space<hbm>>, %arg4: memref<4x128xf32, #tpu.memory_space<hbm>>, %arg5: memref<8x16384xf32, #tpu.memory_space<hbm>>, %arg6: memref<16384xf32, #tpu.memory_space<hbm>>, %arg7: memref<512xi32, #tpu.memory_space<vmem>>, %arg8: memref<8x600xf32, #tpu.memory_space<vmem>>, %arg9: memref<4x128xf32, #tpu.memory_space<vmem>>, %arg10: memref<16xf32, #tpu.memory_space<vmem>>, %arg11: memref<8x512xf32, #tpu.memory_space<vmem>>, %arg12: memref<512xf32, #tpu.memory_space<vmem>>) attributes {dimension_semantics = [#tpu.dimension_semantics<core_parallel>, #tpu.dimension_semantics<subcore_parallel>], iteration_bounds = array<i64: 2, 16>, scalar_prefetch = 0 : i64, scratch_operands = 6 : i64, tpu.core_type = #tpu.core_type<sc_vector_subcore>, window_params = [{transform_indices = #map}, {transform_indices = #map1}, {transform_indices = #map1}, {transform_indices = #map1}, {transform_indices = #map}]} {
    %mul3A = arith.constant 2 : i32
    %mul3A_0 = arith.muli %arg1, %mul3A : i32
    %add3A = arith.addi %mul3A_0, %arg0 : i32
    %mul3A_1 = arith.constant 512 : i32
    %mul3A_2 = arith.muli %add3A, %mul3A_1 : i32
    "tpu.region"() ({
      %run_scoped3A_80 = tpu.sem_alloc : memref<!tpu.dma_semaphore, #tpu.memory_space<semaphore_mem>>
      %dma_start3A = tpu.memref_slice %arg2[%mul3A_2] : memref<16384xi32, #tpu.memory_space<hbm>> -> memref<512xi32, #tpu.memory_space<hbm>>
      %dma_start3A_81 = tpu.memref_slice %arg2[%mul3A_2] : memref<16384xi32, #tpu.memory_space<hbm>> -> memref<512xi32, #tpu.memory_space<hbm>>
      tpu.enqueue_dma source(%dma_start3A_81 : memref<512xi32, #tpu.memory_space<hbm>>) target(%arg7 : memref<512xi32, #tpu.memory_space<vmem>>) target_semaphore(%run_scoped3A_80 : memref<!tpu.dma_semaphore, #tpu.memory_space<semaphore_mem>>)
      %dma_wait3A = tpu.memref_slice %arg2[%mul3A_2] : memref<16384xi32, #tpu.memory_space<hbm>> -> memref<512xi32, #tpu.memory_space<hbm>>
      %dma_wait3A_82 = tpu.memref_slice %arg2[%mul3A_2] : memref<16384xi32, #tpu.memory_space<hbm>> -> memref<512xi32, #tpu.memory_space<hbm>>
      tpu.wait_dma2 semaphore(%run_scoped3A_80 : memref<!tpu.dma_semaphore, #tpu.memory_space<semaphore_mem>>) src(%dma_wait3A_82 : memref<512xi32, #tpu.memory_space<hbm>>) dst(%arg7 : memref<512xi32, #tpu.memory_space<vmem>>)
      tpu.yield
    }) : () -> ()
    "tpu.region"() ({
      %run_scoped3A_80 = tpu.sem_alloc : memref<!tpu.dma_semaphore, #tpu.memory_space<semaphore_mem>>
      tpu.enqueue_dma source(%arg3 : memref<8x600xf32, #tpu.memory_space<hbm>>) target(%arg8 : memref<8x600xf32, #tpu.memory_space<vmem>>) target_semaphore(%run_scoped3A_80 : memref<!tpu.dma_semaphore, #tpu.memory_space<semaphore_mem>>)
      tpu.wait_dma2 semaphore(%run_scoped3A_80 : memref<!tpu.dma_semaphore, #tpu.memory_space<semaphore_mem>>) src(%arg3 : memref<8x600xf32, #tpu.memory_space<hbm>>) dst(%arg8 : memref<8x600xf32, #tpu.memory_space<vmem>>)
      tpu.yield
    }) : () -> ()
    "tpu.region"() ({
      %run_scoped3A_80 = tpu.sem_alloc : memref<!tpu.dma_semaphore, #tpu.memory_space<semaphore_mem>>
      tpu.enqueue_dma source(%arg4 : memref<4x128xf32, #tpu.memory_space<hbm>>) target(%arg9 : memref<4x128xf32, #tpu.memory_space<vmem>>) target_semaphore(%run_scoped3A_80 : memref<!tpu.dma_semaphore, #tpu.memory_space<semaphore_mem>>)
      tpu.wait_dma2 semaphore(%run_scoped3A_80 : memref<!tpu.dma_semaphore, #tpu.memory_space<semaphore_mem>>) src(%arg4 : memref<4x128xf32, #tpu.memory_space<hbm>>) dst(%arg9 : memref<4x128xf32, #tpu.memory_space<vmem>>)
      tpu.yield
    }) : () -> ()
    %get3A = arith.constant 0 : i32
    %get3A_3 = arith.index_cast %get3A : i32 to index
    %get3A_4 = arith.constant 112 : index
    %get3A_5 = tpu.vector_load %arg9[%get3A_3, %get3A_4] {strides = array<i32>} : memref<4x128xf32, #tpu.memory_space<vmem>>, vector<16xf32>,
    %get3A_6 = arith.constant 1 : i32
    %get3A_7 = arith.index_cast %get3A_6 : i32 to index
    %get3A_8 = arith.constant 112 : index
    %get3A_9 = tpu.vector_load %arg9[%get3A_7, %get3A_8] {strides = array<i32>} : memref<4x128xf32, #tpu.memory_space<vmem>>, vector<16xf32>,
    %add3A_10 = arith.addf %get3A_5, %get3A_9 : vector<16xf32>
    %get3A_11 = arith.constant 2 : i32
    %get3A_12 = arith.index_cast %get3A_11 : i32 to index
    %get3A_13 = arith.constant 112 : index
    %get3A_14 = tpu.vector_load %arg9[%get3A_12, %get3A_13] {strides = array<i32>} : memref<4x128xf32, #tpu.memory_space<vmem>>, vector<16xf32>,
    %add3A_15 = arith.addf %add3A_10, %get3A_14 : vector<16xf32>
    %get3A_16 = arith.constant 3 : i32
    %get3A_17 = arith.index_cast %get3A_16 : i32 to index
    %get3A_18 = arith.constant 112 : index
    %get3A_19 = tpu.vector_load %arg9[%get3A_17, %get3A_18] {strides = array<i32>} : memref<4x128xf32, #tpu.memory_space<vmem>>, vector<16xf32>,
    %add3A_20 = arith.addf %add3A_15, %get3A_19 : vector<16xf32>
    %mul3A_21 = arith.constant 2.500000e-01 : f32
    %mul3A_22 = vector.broadcast %mul3A_21 : f32 to vector<16xf32>
    %mul3A_23 = arith.mulf %add3A_20, %mul3A_22 : vector<16xf32>
    %swap3A = arith.constant 0 : index
    %swap3A_24 = tpu.vector_load %arg10[%swap3A] {strides = array<i32>} : memref<16xf32, #tpu.memory_space<vmem>>, vector<16xf32>,
    tpu.vector_store %arg10[%swap3A], %mul3A_23 {strides = array<i32>} : memref<16xf32, #tpu.memory_space<vmem>>, vector<16xf32>,
    %broadcast_in_dim3A = arith.constant 8 : i32
    %broadcast_in_dim3A_25 = vector.broadcast %broadcast_in_dim3A : i32 to vector<16xi32>
    %gather3A = tpu.vector_load_idx %arg10[%broadcast_in_dim3A_25] : memref<16xf32, #tpu.memory_space<vmem>>[vector<16xi32>], vector<16xf32>,
    %broadcast_in_dim3A_26 = arith.constant 9 : i32
    %broadcast_in_dim3A_27 = vector.broadcast %broadcast_in_dim3A_26 : i32 to vector<16xi32>
    %gather3A_28 = tpu.vector_load_idx %arg10[%broadcast_in_dim3A_27] : memref<16xf32, #tpu.memory_space<vmem>>[vector<16xi32>], vector<16xf32>,
    %broadcast_in_dim3A_29 = arith.constant 10 : i32
    %broadcast_in_dim3A_30 = vector.broadcast %broadcast_in_dim3A_29 : i32 to vector<16xi32>
    %gather3A_31 = tpu.vector_load_idx %arg10[%broadcast_in_dim3A_30] : memref<16xf32, #tpu.memory_space<vmem>>[vector<16xi32>], vector<16xf32>,
    %broadcast_in_dim3A_32 = arith.constant 11 : i32
    %broadcast_in_dim3A_33 = vector.broadcast %broadcast_in_dim3A_32 : i32 to vector<16xi32>
    %gather3A_34 = tpu.vector_load_idx %arg10[%broadcast_in_dim3A_33] : memref<16xf32, #tpu.memory_space<vmem>>[vector<16xi32>], vector<16xf32>,
    %broadcast_in_dim3A_35 = arith.constant 12 : i32
    %broadcast_in_dim3A_36 = vector.broadcast %broadcast_in_dim3A_35 : i32 to vector<16xi32>
    %gather3A_37 = tpu.vector_load_idx %arg10[%broadcast_in_dim3A_36] : memref<16xf32, #tpu.memory_space<vmem>>[vector<16xi32>], vector<16xf32>,
    %broadcast_in_dim3A_38 = arith.constant 13 : i32
    %broadcast_in_dim3A_39 = vector.broadcast %broadcast_in_dim3A_38 : i32 to vector<16xi32>
    %gather3A_40 = tpu.vector_load_idx %arg10[%broadcast_in_dim3A_39] : memref<16xf32, #tpu.memory_space<vmem>>[vector<16xi32>], vector<16xf32>,
    %broadcast_in_dim3A_41 = arith.constant 14 : i32
    %broadcast_in_dim3A_42 = vector.broadcast %broadcast_in_dim3A_41 : i32 to vector<16xi32>
    %gather3A_43 = tpu.vector_load_idx %arg10[%broadcast_in_dim3A_42] : memref<16xf32, #tpu.memory_space<vmem>>[vector<16xi32>], vector<16xf32>,
    %broadcast_in_dim3A_44 = arith.constant 15 : i32
    %broadcast_in_dim3A_45 = vector.broadcast %broadcast_in_dim3A_44 : i32 to vector<16xi32>
    %gather3A_46 = tpu.vector_load_idx %arg10[%broadcast_in_dim3A_45] : memref<16xf32, #tpu.memory_space<vmem>>[vector<16xi32>], vector<16xf32>,
    %broadcast_in_dim3A_47 = arith.constant 0 : i32
    %broadcast_in_dim3A_48 = vector.broadcast %broadcast_in_dim3A_47 : i32 to vector<16xi32>
    %broadcast_in_dim3A_49 = arith.constant 1 : i32
    %broadcast_in_dim3A_50 = vector.broadcast %broadcast_in_dim3A_49 : i32 to vector<16xi32>
    %broadcast_in_dim3A_51 = arith.constant 2 : i32
    %broadcast_in_dim3A_52 = vector.broadcast %broadcast_in_dim3A_51 : i32 to vector<16xi32>
    %broadcast_in_dim3A_53 = arith.constant 3 : i32
    %broadcast_in_dim3A_54 = vector.broadcast %broadcast_in_dim3A_53 : i32 to vector<16xi32>
    %broadcast_in_dim3A_55 = arith.constant 4 : i32
    %broadcast_in_dim3A_56 = vector.broadcast %broadcast_in_dim3A_55 : i32 to vector<16xi32>
    %broadcast_in_dim3A_57 = arith.constant 5 : i32
    %broadcast_in_dim3A_58 = vector.broadcast %broadcast_in_dim3A_57 : i32 to vector<16xi32>
    %broadcast_in_dim3A_59 = arith.constant 6 : i32
    %broadcast_in_dim3A_60 = vector.broadcast %broadcast_in_dim3A_59 : i32 to vector<16xi32>
    %broadcast_in_dim3A_61 = arith.constant 7 : i32
    %broadcast_in_dim3A_62 = vector.broadcast %broadcast_in_dim3A_61 : i32 to vector<16xi32>
    %parallel_loop3A = arith.constant 0 : i32
    %parallel_loop3A_63 = arith.constant 512 : i32
    %parallel_loop3A_64 = arith.constant 16 : i32
    scf.for %parallel_loop3A_80 = %parallel_loop3A to %parallel_loop3A_63 step %parallel_loop3A_64  : i32 {
      %parallel_loop3A_81 = arith.index_cast %parallel_loop3A_80 : i32 to index
      %parallel_loop3A_82 = tpu.vector_load %arg7[%parallel_loop3A_81] {strides = array<i32>} : memref<512xi32, #tpu.memory_space<vmem>>, vector<16xi32>,
      %parallel_loop3A_83 = arith.constant 0.000000e+00 : f32
      %parallel_loop3A_84 = vector.broadcast %parallel_loop3A_83 : f32 to vector<16xf32>
      %parallel_loop3A_85 = tpu.vector_load_idx %arg8[%broadcast_in_dim3A_48, %parallel_loop3A_82] : memref<8x600xf32, #tpu.memory_space<vmem>>[vector<16xi32>, vector<16xi32>], vector<16xf32>,
      %parallel_loop3A_86 = arith.mulf %parallel_loop3A_85, %gather3A : vector<16xf32>
      %parallel_loop3A_87 = arith.addf %parallel_loop3A_84, %parallel_loop3A_86 : vector<16xf32>
      %parallel_loop3A_88 = arith.constant 0 : i32
      %parallel_loop3A_89 = arith.index_cast %parallel_loop3A_88 : i32 to index
      %parallel_loop3A_90 = arith.index_cast %parallel_loop3A_80 : i32 to index
      %parallel_loop3A_91 = tpu.vector_load %arg11[%parallel_loop3A_89, %parallel_loop3A_90] {strides = array<i32>} : memref<8x512xf32, #tpu.memory_space<vmem>>, vector<16xf32>,
      tpu.vector_store %arg11[%parallel_loop3A_89, %parallel_loop3A_90], %parallel_loop3A_85 {strides = array<i32>} : memref<8x512xf32, #tpu.memory_space<vmem>>, vector<16xf32>,
      %parallel_loop3A_92 = tpu.vector_load_idx %arg8[%broadcast_in_dim3A_50, %parallel_loop3A_82] : memref<8x600xf32, #tpu.memory_space<vmem>>[vector<16xi32>, vector<16xi32>], vector<16xf32>,
      %parallel_loop3A_93 = arith.mulf %parallel_loop3A_92, %gather3A_28 : vector<16xf32>
      %parallel_loop3A_94 = arith.addf %parallel_loop3A_87, %parallel_loop3A_93 : vector<16xf32>
      %parallel_loop3A_95 = arith.constant 1 : i32
      %parallel_loop3A_96 = arith.index_cast %parallel_loop3A_95 : i32 to index
      %parallel_loop3A_97 = arith.index_cast %parallel_loop3A_80 : i32 to index
      %parallel_loop3A_98 = tpu.vector_load %arg11[%parallel_loop3A_96, %parallel_loop3A_97] {strides = array<i32>} : memref<8x512xf32, #tpu.memory_space<vmem>>, vector<16xf32>,
      tpu.vector_store %arg11[%parallel_loop3A_96, %parallel_loop3A_97], %parallel_loop3A_92 {strides = array<i32>} : memref<8x512xf32, #tpu.memory_space<vmem>>, vector<16xf32>,
      %parallel_loop3A_99 = tpu.vector_load_idx %arg8[%broadcast_in_dim3A_52, %parallel_loop3A_82] : memref<8x600xf32, #tpu.memory_space<vmem>>[vector<16xi32>, vector<16xi32>], vector<16xf32>,
      %parallel_loop3A_100 = arith.mulf %parallel_loop3A_99, %gather3A_31 : vector<16xf32>
      %parallel_loop3A_101 = arith.addf %parallel_loop3A_94, %parallel_loop3A_100 : vector<16xf32>
      %parallel_loop3A_102 = arith.constant 2 : i32
      %parallel_loop3A_103 = arith.index_cast %parallel_loop3A_102 : i32 to index
      %parallel_loop3A_104 = arith.index_cast %parallel_loop3A_80 : i32 to index
      %parallel_loop3A_105 = tpu.vector_load %arg11[%parallel_loop3A_103, %parallel_loop3A_104] {strides = array<i32>} : memref<8x512xf32, #tpu.memory_space<vmem>>, vector<16xf32>,
      tpu.vector_store %arg11[%parallel_loop3A_103, %parallel_loop3A_104], %parallel_loop3A_99 {strides = array<i32>} : memref<8x512xf32, #tpu.memory_space<vmem>>, vector<16xf32>,
      %parallel_loop3A_106 = tpu.vector_load_idx %arg8[%broadcast_in_dim3A_54, %parallel_loop3A_82] : memref<8x600xf32, #tpu.memory_space<vmem>>[vector<16xi32>, vector<16xi32>], vector<16xf32>,
      %parallel_loop3A_107 = arith.mulf %parallel_loop3A_106, %gather3A_34 : vector<16xf32>
      %parallel_loop3A_108 = arith.addf %parallel_loop3A_101, %parallel_loop3A_107 : vector<16xf32>
      %parallel_loop3A_109 = arith.constant 3 : i32
      %parallel_loop3A_110 = arith.index_cast %parallel_loop3A_109 : i32 to index
      %parallel_loop3A_111 = arith.index_cast %parallel_loop3A_80 : i32 to index
      %parallel_loop3A_112 = tpu.vector_load %arg11[%parallel_loop3A_110, %parallel_loop3A_111] {strides = array<i32>} : memref<8x512xf32, #tpu.memory_space<vmem>>, vector<16xf32>,
      tpu.vector_store %arg11[%parallel_loop3A_110, %parallel_loop3A_111], %parallel_loop3A_106 {strides = array<i32>} : memref<8x512xf32, #tpu.memory_space<vmem>>, vector<16xf32>,
      %parallel_loop3A_113 = tpu.vector_load_idx %arg8[%broadcast_in_dim3A_56, %parallel_loop3A_82] : memref<8x600xf32, #tpu.memory_space<vmem>>[vector<16xi32>, vector<16xi32>], vector<16xf32>,
      %parallel_loop3A_114 = arith.mulf %parallel_loop3A_113, %gather3A_37 : vector<16xf32>
      %parallel_loop3A_115 = arith.addf %parallel_loop3A_108, %parallel_loop3A_114 : vector<16xf32>
      %parallel_loop3A_116 = arith.constant 4 : i32
      %parallel_loop3A_117 = arith.index_cast %parallel_loop3A_116 : i32 to index
      %parallel_loop3A_118 = arith.index_cast %parallel_loop3A_80 : i32 to index
      %parallel_loop3A_119 = tpu.vector_load %arg11[%parallel_loop3A_117, %parallel_loop3A_118] {strides = array<i32>} : memref<8x512xf32, #tpu.memory_space<vmem>>, vector<16xf32>,
      tpu.vector_store %arg11[%parallel_loop3A_117, %parallel_loop3A_118], %parallel_loop3A_113 {strides = array<i32>} : memref<8x512xf32, #tpu.memory_space<vmem>>, vector<16xf32>,
      %parallel_loop3A_120 = tpu.vector_load_idx %arg8[%broadcast_in_dim3A_58, %parallel_loop3A_82] : memref<8x600xf32, #tpu.memory_space<vmem>>[vector<16xi32>, vector<16xi32>], vector<16xf32>,
      %parallel_loop3A_121 = arith.mulf %parallel_loop3A_120, %gather3A_40 : vector<16xf32>
      %parallel_loop3A_122 = arith.addf %parallel_loop3A_115, %parallel_loop3A_121 : vector<16xf32>
      %parallel_loop3A_123 = arith.constant 5 : i32
      %parallel_loop3A_124 = arith.index_cast %parallel_loop3A_123 : i32 to index
      %parallel_loop3A_125 = arith.index_cast %parallel_loop3A_80 : i32 to index
      %parallel_loop3A_126 = tpu.vector_load %arg11[%parallel_loop3A_124, %parallel_loop3A_125] {strides = array<i32>} : memref<8x512xf32, #tpu.memory_space<vmem>>, vector<16xf32>,
      tpu.vector_store %arg11[%parallel_loop3A_124, %parallel_loop3A_125], %parallel_loop3A_120 {strides = array<i32>} : memref<8x512xf32, #tpu.memory_space<vmem>>, vector<16xf32>,
      %parallel_loop3A_127 = tpu.vector_load_idx %arg8[%broadcast_in_dim3A_60, %parallel_loop3A_82] : memref<8x600xf32, #tpu.memory_space<vmem>>[vector<16xi32>, vector<16xi32>], vector<16xf32>,
      %parallel_loop3A_128 = arith.mulf %parallel_loop3A_127, %gather3A_43 : vector<16xf32>
      %parallel_loop3A_129 = arith.addf %parallel_loop3A_122, %parallel_loop3A_128 : vector<16xf32>
      %parallel_loop3A_130 = arith.constant 6 : i32
      %parallel_loop3A_131 = arith.index_cast %parallel_loop3A_130 : i32 to index
      %parallel_loop3A_132 = arith.index_cast %parallel_loop3A_80 : i32 to index
      %parallel_loop3A_133 = tpu.vector_load %arg11[%parallel_loop3A_131, %parallel_loop3A_132] {strides = array<i32>} : memref<8x512xf32, #tpu.memory_space<vmem>>, vector<16xf32>,
      tpu.vector_store %arg11[%parallel_loop3A_131, %parallel_loop3A_132], %parallel_loop3A_127 {strides = array<i32>} : memref<8x512xf32, #tpu.memory_space<vmem>>, vector<16xf32>,
      %parallel_loop3A_134 = tpu.vector_load_idx %arg8[%broadcast_in_dim3A_62, %parallel_loop3A_82] : memref<8x600xf32, #tpu.memory_space<vmem>>[vector<16xi32>, vector<16xi32>], vector<16xf32>,
      %parallel_loop3A_135 = arith.mulf %parallel_loop3A_134, %gather3A_46 : vector<16xf32>
      %parallel_loop3A_136 = arith.addf %parallel_loop3A_129, %parallel_loop3A_135 : vector<16xf32>
      %parallel_loop3A_137 = arith.constant 7 : i32
      %parallel_loop3A_138 = arith.index_cast %parallel_loop3A_137 : i32 to index
      %parallel_loop3A_139 = arith.index_cast %parallel_loop3A_80 : i32 to index
      %parallel_loop3A_140 = tpu.vector_load %arg11[%parallel_loop3A_138, %parallel_loop3A_139] {strides = array<i32>} : memref<8x512xf32, #tpu.memory_space<vmem>>, vector<16xf32>,
      tpu.vector_store %arg11[%parallel_loop3A_138, %parallel_loop3A_139], %parallel_loop3A_134 {strides = array<i32>} : memref<8x512xf32, #tpu.memory_space<vmem>>, vector<16xf32>,
      %parallel_loop3A_141 = arith.index_cast %parallel_loop3A_80 : i32 to index
      %parallel_loop3A_142 = tpu.vector_load %arg12[%parallel_loop3A_141] {strides = array<i32>} : memref<512xf32, #tpu.memory_space<vmem>>, vector<16xf32>,
      tpu.vector_store %arg12[%parallel_loop3A_141], %parallel_loop3A_136 {strides = array<i32>} : memref<512xf32, #tpu.memory_space<vmem>>, vector<16xf32>,
    } {sc.loop_unroll_factor = 4 : i64, sc.parallel_access}
    "tpu.region"() ({
      %run_scoped3A_80 = tpu.sem_alloc : memref<!tpu.dma_semaphore, #tpu.memory_space<semaphore_mem>>
      %dma_start3A = tpu.memref_slice %arg6[%mul3A_2] : memref<16384xf32, #tpu.memory_space<hbm>> -> memref<512xf32, #tpu.memory_space<hbm>>
      %dma_start3A_81 = tpu.memref_slice %arg6[%mul3A_2] : memref<16384xf32, #tpu.memory_space<hbm>> -> memref<512xf32, #tpu.memory_space<hbm>>
      tpu.enqueue_dma source(%arg12 : memref<512xf32, #tpu.memory_space<vmem>>) target(%dma_start3A_81 : memref<512xf32, #tpu.memory_space<hbm>>) target_semaphore(%run_scoped3A_80 : memref<!tpu.dma_semaphore, #tpu.memory_space<semaphore_mem>>)
      %dma_wait3A = tpu.memref_slice %arg6[%mul3A_2] : memref<16384xf32, #tpu.memory_space<hbm>> -> memref<512xf32, #tpu.memory_space<hbm>>
      %dma_wait3A_82 = tpu.memref_slice %arg6[%mul3A_2] : memref<16384xf32, #tpu.memory_space<hbm>> -> memref<512xf32, #tpu.memory_space<hbm>>
      tpu.wait_dma2 semaphore(%run_scoped3A_80 : memref<!tpu.dma_semaphore, #tpu.memory_space<semaphore_mem>>) src(%arg12 : memref<512xf32, #tpu.memory_space<vmem>>) dst(%dma_wait3A_82 : memref<512xf32, #tpu.memory_space<hbm>>)
      tpu.yield
    }) : () -> ()
    %run_scoped3A = arith.constant 0 : i32
    %run_scoped3A_65 = arith.constant 0 : i32
    "tpu.region"() ({
      %run_scoped3A_80 = tpu.sem_alloc : memref<!tpu.dma_semaphore, #tpu.memory_space<semaphore_mem>>
      %dma_start3A = arith.constant 0 : i32
      %dma_start3A_81 = tpu.memref_slice %arg11[%run_scoped3A, %dma_start3A] : memref<8x512xf32, #tpu.memory_space<vmem>> -> memref<1x512xf32, #tpu.memory_space<vmem>>
      %dma_start3A_82 = tpu.memref_squeeze %dma_start3A_81 : memref<1x512xf32, #tpu.memory_space<vmem>> -> memref<512xf32, #tpu.memory_space<vmem>>
      %dma_start3A_83 = tpu.memref_slice %arg5[%run_scoped3A_65, %mul3A_2] : memref<8x16384xf32, #tpu.memory_space<hbm>> -> memref<1x512xf32, #tpu.memory_space<hbm>>
      %dma_start3A_84 = tpu.memref_squeeze %dma_start3A_83 : memref<1x512xf32, #tpu.memory_space<hbm>> -> memref<512xf32, #tpu.memory_space<hbm>>
      %dma_start3A_85 = tpu.memref_slice %arg5[%run_scoped3A_65, %mul3A_2] : memref<8x16384xf32, #tpu.memory_space<hbm>> -> memref<1x512xf32, #tpu.memory_space<hbm>>
      %dma_start3A_86 = tpu.memref_squeeze %dma_start3A_85 : memref<1x512xf32, #tpu.memory_space<hbm>> -> memref<512xf32, #tpu.memory_space<hbm>>
      %dma_start3A_87 = arith.constant 0 : i32
      %dma_start3A_88 = tpu.memref_slice %arg11[%run_scoped3A, %dma_start3A_87] : memref<8x512xf32, #tpu.memory_space<vmem>> -> memref<1x512xf32, #tpu.memory_space<vmem>>
      %dma_start3A_89 = tpu.memref_squeeze %dma_start3A_88 : memref<1x512xf32, #tpu.memory_space<vmem>> -> memref<512xf32, #tpu.memory_space<vmem>>
      tpu.enqueue_dma source(%dma_start3A_89 : memref<512xf32, #tpu.memory_space<vmem>>) target(%dma_start3A_86 : memref<512xf32, #tpu.memory_space<hbm>>) target_semaphore(%run_scoped3A_80 : memref<!tpu.dma_semaphore, #tpu.memory_space<semaphore_mem>>)
      %dma_wait3A = arith.constant 0 : i32
      %dma_wait3A_90 = tpu.memref_slice %arg11[%run_scoped3A, %dma_wait3A] : memref<8x512xf32, #tpu.memory_space<vmem>> -> memref<1x512xf32, #tpu.memory_space<vmem>>
      %dma_wait3A_91 = tpu.memref_squeeze %dma_wait3A_90 : memref<1x512xf32, #tpu.memory_space<vmem>> -> memref<512xf32, #tpu.memory_space<vmem>>
      %dma_wait3A_92 = tpu.memref_slice %arg5[%run_scoped3A_65, %mul3A_2] : memref<8x16384xf32, #tpu.memory_space<hbm>> -> memref<1x512xf32, #tpu.memory_space<hbm>>
      %dma_wait3A_93 = tpu.memref_squeeze %dma_wait3A_92 : memref<1x512xf32, #tpu.memory_space<hbm>> -> memref<512xf32, #tpu.memory_space<hbm>>
      %dma_wait3A_94 = tpu.memref_slice %arg5[%run_scoped3A_65, %mul3A_2] : memref<8x16384xf32, #tpu.memory_space<hbm>> -> memref<1x512xf32, #tpu.memory_space<hbm>>
      %dma_wait3A_95 = tpu.memref_squeeze %dma_wait3A_94 : memref<1x512xf32, #tpu.memory_space<hbm>> -> memref<512xf32, #tpu.memory_space<hbm>>
      %dma_wait3A_96 = arith.constant 0 : i32
      %dma_wait3A_97 = tpu.memref_slice %arg11[%run_scoped3A, %dma_wait3A_96] : memref<8x512xf32, #tpu.memory_space<vmem>> -> memref<1x512xf32, #tpu.memory_space<vmem>>
      %dma_wait3A_98 = tpu.memref_squeeze %dma_wait3A_97 : memref<1x512xf32, #tpu.memory_space<vmem>> -> memref<512xf32, #tpu.memory_space<vmem>>
      tpu.wait_dma2 semaphore(%run_scoped3A_80 : memref<!tpu.dma_semaphore, #tpu.memory_space<semaphore_mem>>) src(%dma_wait3A_98 : memref<512xf32, #tpu.memory_space<vmem>>) dst(%dma_wait3A_95 : memref<512xf32, #tpu.memory_space<hbm>>)
      tpu.yield
    }) : () -> ()
    %run_scoped3A_66 = arith.constant 1 : i32
    %run_scoped3A_67 = arith.constant 1 : i32
    "tpu.region"() ({
      %run_scoped3A_80 = tpu.sem_alloc : memref<!tpu.dma_semaphore, #tpu.memory_space<semaphore_mem>>
      %dma_start3A = arith.constant 0 : i32
      %dma_start3A_81 = tpu.memref_slice %arg11[%run_scoped3A_66, %dma_start3A] : memref<8x512xf32, #tpu.memory_space<vmem>> -> memref<1x512xf32, #tpu.memory_space<vmem>>
      %dma_start3A_82 = tpu.memref_squeeze %dma_start3A_81 : memref<1x512xf32, #tpu.memory_space<vmem>> -> memref<512xf32, #tpu.memory_space<vmem>>
      %dma_start3A_83 = tpu.memref_slice %arg5[%run_scoped3A_67, %mul3A_2] : memref<8x16384xf32, #tpu.memory_space<hbm>> -> memref<1x512xf32, #tpu.memory_space<hbm>>
      %dma_start3A_84 = tpu.memref_squeeze %dma_start3A_83 : memref<1x512xf32, #tpu.memory_space<hbm>> -> memref<512xf32, #tpu.memory_space<hbm>>
      %dma_start3A_85 = tpu.memref_slice %arg5[%run_scoped3A_67, %mul3A_2] : memref<8x16384xf32, #tpu.memory_space<hbm>> -> memref<1x512xf32, #tpu.memory_space<hbm>>
      %dma_start3A_86 = tpu.memref_squeeze %dma_start3A_85 : memref<1x512xf32, #tpu.memory_space<hbm>> -> memref<512xf32, #tpu.memory_space<hbm>>
      %dma_start3A_87 = arith.constant 0 : i32
      %dma_start3A_88 = tpu.memref_slice %arg11[%run_scoped3A_66, %dma_start3A_87] : memref<8x512xf32, #tpu.memory_space<vmem>> -> memref<1x512xf32, #tpu.memory_space<vmem>>
      %dma_start3A_89 = tpu.memref_squeeze %dma_start3A_88 : memref<1x512xf32, #tpu.memory_space<vmem>> -> memref<512xf32, #tpu.memory_space<vmem>>
      tpu.enqueue_dma source(%dma_start3A_89 : memref<512xf32, #tpu.memory_space<vmem>>) target(%dma_start3A_86 : memref<512xf32, #tpu.memory_space<hbm>>) target_semaphore(%run_scoped3A_80 : memref<!tpu.dma_semaphore, #tpu.memory_space<semaphore_mem>>)
      %dma_wait3A = arith.constant 0 : i32
      %dma_wait3A_90 = tpu.memref_slice %arg11[%run_scoped3A_66, %dma_wait3A] : memref<8x512xf32, #tpu.memory_space<vmem>> -> memref<1x512xf32, #tpu.memory_space<vmem>>
      %dma_wait3A_91 = tpu.memref_squeeze %dma_wait3A_90 : memref<1x512xf32, #tpu.memory_space<vmem>> -> memref<512xf32, #tpu.memory_space<vmem>>
      %dma_wait3A_92 = tpu.memref_slice %arg5[%run_scoped3A_67, %mul3A_2] : memref<8x16384xf32, #tpu.memory_space<hbm>> -> memref<1x512xf32, #tpu.memory_space<hbm>>
      %dma_wait3A_93 = tpu.memref_squeeze %dma_wait3A_92 : memref<1x512xf32, #tpu.memory_space<hbm>> -> memref<512xf32, #tpu.memory_space<hbm>>
      %dma_wait3A_94 = tpu.memref_slice %arg5[%run_scoped3A_67, %mul3A_2] : memref<8x16384xf32, #tpu.memory_space<hbm>> -> memref<1x512xf32, #tpu.memory_space<hbm>>
      %dma_wait3A_95 = tpu.memref_squeeze %dma_wait3A_94 : memref<1x512xf32, #tpu.memory_space<hbm>> -> memref<512xf32, #tpu.memory_space<hbm>>
      %dma_wait3A_96 = arith.constant 0 : i32
      %dma_wait3A_97 = tpu.memref_slice %arg11[%run_scoped3A_66, %dma_wait3A_96] : memref<8x512xf32, #tpu.memory_space<vmem>> -> memref<1x512xf32, #tpu.memory_space<vmem>>
      %dma_wait3A_98 = tpu.memref_squeeze %dma_wait3A_97 : memref<1x512xf32, #tpu.memory_space<vmem>> -> memref<512xf32, #tpu.memory_space<vmem>>
      tpu.wait_dma2 semaphore(%run_scoped3A_80 : memref<!tpu.dma_semaphore, #tpu.memory_space<semaphore_mem>>) src(%dma_wait3A_98 : memref<512xf32, #tpu.memory_space<vmem>>) dst(%dma_wait3A_95 : memref<512xf32, #tpu.memory_space<hbm>>)
      tpu.yield
    }) : () -> ()
    %run_scoped3A_68 = arith.constant 2 : i32
    %run_scoped3A_69 = arith.constant 2 : i32
    "tpu.region"() ({
      %run_scoped3A_80 = tpu.sem_alloc : memref<!tpu.dma_semaphore, #tpu.memory_space<semaphore_mem>>
      %dma_start3A = arith.constant 0 : i32
      %dma_start3A_81 = tpu.memref_slice %arg11[%run_scoped3A_68, %dma_start3A] : memref<8x512xf32, #tpu.memory_space<vmem>> -> memref<1x512xf32, #tpu.memory_space<vmem>>
      %dma_start3A_82 = tpu.memref_squeeze %dma_start3A_81 : memref<1x512xf32, #tpu.memory_space<vmem>> -> memref<512xf32, #tpu.memory_space<vmem>>
      %dma_start3A_83 = tpu.memref_slice %arg5[%run_scoped3A_69, %mul3A_2] : memref<8x16384xf32, #tpu.memory_space<hbm>> -> memref<1x512xf32, #tpu.memory_space<hbm>>
      %dma_start3A_84 = tpu.memref_squeeze %dma_start3A_83 : memref<1x512xf32, #tpu.memory_space<hbm>> -> memref<512xf32, #tpu.memory_space<hbm>>
      %dma_start3A_85 = tpu.memref_slice %arg5[%run_scoped3A_69, %mul3A_2] : memref<8x16384xf32, #tpu.memory_space<hbm>> -> memref<1x512xf32, #tpu.memory_space<hbm>>
      %dma_start3A_86 = tpu.memref_squeeze %dma_start3A_85 : memref<1x512xf32, #tpu.memory_space<hbm>> -> memref<512xf32, #tpu.memory_space<hbm>>
      %dma_start3A_87 = arith.constant 0 : i32
      %dma_start3A_88 = tpu.memref_slice %arg11[%run_scoped3A_68, %dma_start3A_87] : memref<8x512xf32, #tpu.memory_space<vmem>> -> memref<1x512xf32, #tpu.memory_space<vmem>>
      %dma_start3A_89 = tpu.memref_squeeze %dma_start3A_88 : memref<1x512xf32, #tpu.memory_space<vmem>> -> memref<512xf32, #tpu.memory_space<vmem>>
      tpu.enqueue_dma source(%dma_start3A_89 : memref<512xf32, #tpu.memory_space<vmem>>) target(%dma_start3A_86 : memref<512xf32, #tpu.memory_space<hbm>>) target_semaphore(%run_scoped3A_80 : memref<!tpu.dma_semaphore, #tpu.memory_space<semaphore_mem>>)
      %dma_wait3A = arith.constant 0 : i32
      %dma_wait3A_90 = tpu.memref_slice %arg11[%run_scoped3A_68, %dma_wait3A] : memref<8x512xf32, #tpu.memory_space<vmem>> -> memref<1x512xf32, #tpu.memory_space<vmem>>
      %dma_wait3A_91 = tpu.memref_squeeze %dma_wait3A_90 : memref<1x512xf32, #tpu.memory_space<vmem>> -> memref<512xf32, #tpu.memory_space<vmem>>
      %dma_wait3A_92 = tpu.memref_slice %arg5[%run_scoped3A_69, %mul3A_2] : memref<8x16384xf32, #tpu.memory_space<hbm>> -> memref<1x512xf32, #tpu.memory_space<hbm>>
      %dma_wait3A_93 = tpu.memref_squeeze %dma_wait3A_92 : memref<1x512xf32, #tpu.memory_space<hbm>> -> memref<512xf32, #tpu.memory_space<hbm>>
      %dma_wait3A_94 = tpu.memref_slice %arg5[%run_scoped3A_69, %mul3A_2] : memref<8x16384xf32, #tpu.memory_space<hbm>> -> memref<1x512xf32, #tpu.memory_space<hbm>>
      %dma_wait3A_95 = tpu.memref_squeeze %dma_wait3A_94 : memref<1x512xf32, #tpu.memory_space<hbm>> -> memref<512xf32, #tpu.memory_space<hbm>>
      %dma_wait3A_96 = arith.constant 0 : i32
      %dma_wait3A_97 = tpu.memref_slice %arg11[%run_scoped3A_68, %dma_wait3A_96] : memref<8x512xf32, #tpu.memory_space<vmem>> -> memref<1x512xf32, #tpu.memory_space<vmem>>
      %dma_wait3A_98 = tpu.memref_squeeze %dma_wait3A_97 : memref<1x512xf32, #tpu.memory_space<vmem>> -> memref<512xf32, #tpu.memory_space<vmem>>
      tpu.wait_dma2 semaphore(%run_scoped3A_80 : memref<!tpu.dma_semaphore, #tpu.memory_space<semaphore_mem>>) src(%dma_wait3A_98 : memref<512xf32, #tpu.memory_space<vmem>>) dst(%dma_wait3A_95 : memref<512xf32, #tpu.memory_space<hbm>>)
      tpu.yield
    }) : () -> ()
    %run_scoped3A_70 = arith.constant 3 : i32
    %run_scoped3A_71 = arith.constant 3 : i32
    "tpu.region"() ({
      %run_scoped3A_80 = tpu.sem_alloc : memref<!tpu.dma_semaphore, #tpu.memory_space<semaphore_mem>>
      %dma_start3A = arith.constant 0 : i32
      %dma_start3A_81 = tpu.memref_slice %arg11[%run_scoped3A_70, %dma_start3A] : memref<8x512xf32, #tpu.memory_space<vmem>> -> memref<1x512xf32, #tpu.memory_space<vmem>>
      %dma_start3A_82 = tpu.memref_squeeze %dma_start3A_81 : memref<1x512xf32, #tpu.memory_space<vmem>> -> memref<512xf32, #tpu.memory_space<vmem>>
      %dma_start3A_83 = tpu.memref_slice %arg5[%run_scoped3A_71, %mul3A_2] : memref<8x16384xf32, #tpu.memory_space<hbm>> -> memref<1x512xf32, #tpu.memory_space<hbm>>
      %dma_start3A_84 = tpu.memref_squeeze %dma_start3A_83 : memref<1x512xf32, #tpu.memory_space<hbm>> -> memref<512xf32, #tpu.memory_space<hbm>>
      %dma_start3A_85 = tpu.memref_slice %arg5[%run_scoped3A_71, %mul3A_2] : memref<8x16384xf32, #tpu.memory_space<hbm>> -> memref<1x512xf32, #tpu.memory_space<hbm>>
      %dma_start3A_86 = tpu.memref_squeeze %dma_start3A_85 : memref<1x512xf32, #tpu.memory_space<hbm>> -> memref<512xf32, #tpu.memory_space<hbm>>
      %dma_start3A_87 = arith.constant 0 : i32
      %dma_start3A_88 = tpu.memref_slice %arg11[%run_scoped3A_70, %dma_start3A_87] : memref<8x512xf32, #tpu.memory_space<vmem>> -> memref<1x512xf32, #tpu.memory_space<vmem>>
      %dma_start3A_89 = tpu.memref_squeeze %dma_start3A_88 : memref<1x512xf32, #tpu.memory_space<vmem>> -> memref<512xf32, #tpu.memory_space<vmem>>
      tpu.enqueue_dma source(%dma_start3A_89 : memref<512xf32, #tpu.memory_space<vmem>>) target(%dma_start3A_86 : memref<512xf32, #tpu.memory_space<hbm>>) target_semaphore(%run_scoped3A_80 : memref<!tpu.dma_semaphore, #tpu.memory_space<semaphore_mem>>)
      %dma_wait3A = arith.constant 0 : i32
      %dma_wait3A_90 = tpu.memref_slice %arg11[%run_scoped3A_70, %dma_wait3A] : memref<8x512xf32, #tpu.memory_space<vmem>> -> memref<1x512xf32, #tpu.memory_space<vmem>>
      %dma_wait3A_91 = tpu.memref_squeeze %dma_wait3A_90 : memref<1x512xf32, #tpu.memory_space<vmem>> -> memref<512xf32, #tpu.memory_space<vmem>>
      %dma_wait3A_92 = tpu.memref_slice %arg5[%run_scoped3A_71, %mul3A_2] : memref<8x16384xf32, #tpu.memory_space<hbm>> -> memref<1x512xf32, #tpu.memory_space<hbm>>
      %dma_wait3A_93 = tpu.memref_squeeze %dma_wait3A_92 : memref<1x512xf32, #tpu.memory_space<hbm>> -> memref<512xf32, #tpu.memory_space<hbm>>
      %dma_wait3A_94 = tpu.memref_slice %arg5[%run_scoped3A_71, %mul3A_2] : memref<8x16384xf32, #tpu.memory_space<hbm>> -> memref<1x512xf32, #tpu.memory_space<hbm>>
      %dma_wait3A_95 = tpu.memref_squeeze %dma_wait3A_94 : memref<1x512xf32, #tpu.memory_space<hbm>> -> memref<512xf32, #tpu.memory_space<hbm>>
      %dma_wait3A_96 = arith.constant 0 : i32
      %dma_wait3A_97 = tpu.memref_slice %arg11[%run_scoped3A_70, %dma_wait3A_96] : memref<8x512xf32, #tpu.memory_space<vmem>> -> memref<1x512xf32, #tpu.memory_space<vmem>>
      %dma_wait3A_98 = tpu.memref_squeeze %dma_wait3A_97 : memref<1x512xf32, #tpu.memory_space<vmem>> -> memref<512xf32, #tpu.memory_space<vmem>>
      tpu.wait_dma2 semaphore(%run_scoped3A_80 : memref<!tpu.dma_semaphore, #tpu.memory_space<semaphore_mem>>) src(%dma_wait3A_98 : memref<512xf32, #tpu.memory_space<vmem>>) dst(%dma_wait3A_95 : memref<512xf32, #tpu.memory_space<hbm>>)
      tpu.yield
    }) : () -> ()
    %run_scoped3A_72 = arith.constant 4 : i32
    %run_scoped3A_73 = arith.constant 4 : i32
    "tpu.region"() ({
      %run_scoped3A_80 = tpu.sem_alloc : memref<!tpu.dma_semaphore, #tpu.memory_space<semaphore_mem>>
      %dma_start3A = arith.constant 0 : i32
      %dma_start3A_81 = tpu.memref_slice %arg11[%run_scoped3A_72, %dma_start3A] : memref<8x512xf32, #tpu.memory_space<vmem>> -> memref<1x512xf32, #tpu.memory_space<vmem>>
      %dma_start3A_82 = tpu.memref_squeeze %dma_start3A_81 : memref<1x512xf32, #tpu.memory_space<vmem>> -> memref<512xf32, #tpu.memory_space<vmem>>
      %dma_start3A_83 = tpu.memref_slice %arg5[%run_scoped3A_73, %mul3A_2] : memref<8x16384xf32, #tpu.memory_space<hbm>> -> memref<1x512xf32, #tpu.memory_space<hbm>>
      %dma_start3A_84 = tpu.memref_squeeze %dma_start3A_83 : memref<1x512xf32, #tpu.memory_space<hbm>> -> memref<512xf32, #tpu.memory_space<hbm>>
      %dma_start3A_85 = tpu.memref_slice %arg5[%run_scoped3A_73, %mul3A_2] : memref<8x16384xf32, #tpu.memory_space<hbm>> -> memref<1x512xf32, #tpu.memory_space<hbm>>
      %dma_start3A_86 = tpu.memref_squeeze %dma_start3A_85 : memref<1x512xf32, #tpu.memory_space<hbm>> -> memref<512xf32, #tpu.memory_space<hbm>>
      %dma_start3A_87 = arith.constant 0 : i32
      %dma_start3A_88 = tpu.memref_slice %arg11[%run_scoped3A_72, %dma_start3A_87] : memref<8x512xf32, #tpu.memory_space<vmem>> -> memref<1x512xf32, #tpu.memory_space<vmem>>
      %dma_start3A_89 = tpu.memref_squeeze %dma_start3A_88 : memref<1x512xf32, #tpu.memory_space<vmem>> -> memref<512xf32, #tpu.memory_space<vmem>>
      tpu.enqueue_dma source(%dma_start3A_89 : memref<512xf32, #tpu.memory_space<vmem>>) target(%dma_start3A_86 : memref<512xf32, #tpu.memory_space<hbm>>) target_semaphore(%run_scoped3A_80 : memref<!tpu.dma_semaphore, #tpu.memory_space<semaphore_mem>>)
      %dma_wait3A = arith.constant 0 : i32
      %dma_wait3A_90 = tpu.memref_slice %arg11[%run_scoped3A_72, %dma_wait3A] : memref<8x512xf32, #tpu.memory_space<vmem>> -> memref<1x512xf32, #tpu.memory_space<vmem>>
      %dma_wait3A_91 = tpu.memref_squeeze %dma_wait3A_90 : memref<1x512xf32, #tpu.memory_space<vmem>> -> memref<512xf32, #tpu.memory_space<vmem>>
      %dma_wait3A_92 = tpu.memref_slice %arg5[%run_scoped3A_73, %mul3A_2] : memref<8x16384xf32, #tpu.memory_space<hbm>> -> memref<1x512xf32, #tpu.memory_space<hbm>>
      %dma_wait3A_93 = tpu.memref_squeeze %dma_wait3A_92 : memref<1x512xf32, #tpu.memory_space<hbm>> -> memref<512xf32, #tpu.memory_space<hbm>>
      %dma_wait3A_94 = tpu.memref_slice %arg5[%run_scoped3A_73, %mul3A_2] : memref<8x16384xf32, #tpu.memory_space<hbm>> -> memref<1x512xf32, #tpu.memory_space<hbm>>
      %dma_wait3A_95 = tpu.memref_squeeze %dma_wait3A_94 : memref<1x512xf32, #tpu.memory_space<hbm>> -> memref<512xf32, #tpu.memory_space<hbm>>
      %dma_wait3A_96 = arith.constant 0 : i32
      %dma_wait3A_97 = tpu.memref_slice %arg11[%run_scoped3A_72, %dma_wait3A_96] : memref<8x512xf32, #tpu.memory_space<vmem>> -> memref<1x512xf32, #tpu.memory_space<vmem>>
      %dma_wait3A_98 = tpu.memref_squeeze %dma_wait3A_97 : memref<1x512xf32, #tpu.memory_space<vmem>> -> memref<512xf32, #tpu.memory_space<vmem>>
      tpu.wait_dma2 semaphore(%run_scoped3A_80 : memref<!tpu.dma_semaphore, #tpu.memory_space<semaphore_mem>>) src(%dma_wait3A_98 : memref<512xf32, #tpu.memory_space<vmem>>) dst(%dma_wait3A_95 : memref<512xf32, #tpu.memory_space<hbm>>)
      tpu.yield
    }) : () -> ()
    %run_scoped3A_74 = arith.constant 5 : i32
    %run_scoped3A_75 = arith.constant 5 : i32
    "tpu.region"() ({
      %run_scoped3A_80 = tpu.sem_alloc : memref<!tpu.dma_semaphore, #tpu.memory_space<semaphore_mem>>
      %dma_start3A = arith.constant 0 : i32
      %dma_start3A_81 = tpu.memref_slice %arg11[%run_scoped3A_74, %dma_start3A] : memref<8x512xf32, #tpu.memory_space<vmem>> -> memref<1x512xf32, #tpu.memory_space<vmem>>
      %dma_start3A_82 = tpu.memref_squeeze %dma_start3A_81 : memref<1x512xf32, #tpu.memory_space<vmem>> -> memref<512xf32, #tpu.memory_space<vmem>>
      %dma_start3A_83 = tpu.memref_slice %arg5[%run_scoped3A_75, %mul3A_2] : memref<8x16384xf32, #tpu.memory_space<hbm>> -> memref<1x512xf32, #tpu.memory_space<hbm>>
      %dma_start3A_84 = tpu.memref_squeeze %dma_start3A_83 : memref<1x512xf32, #tpu.memory_space<hbm>> -> memref<512xf32, #tpu.memory_space<hbm>>
      %dma_start3A_85 = tpu.memref_slice %arg5[%run_scoped3A_75, %mul3A_2] : memref<8x16384xf32, #tpu.memory_space<hbm>> -> memref<1x512xf32, #tpu.memory_space<hbm>>
      %dma_start3A_86 = tpu.memref_squeeze %dma_start3A_85 : memref<1x512xf32, #tpu.memory_space<hbm>> -> memref<512xf32, #tpu.memory_space<hbm>>
      %dma_start3A_87 = arith.constant 0 : i32
      %dma_start3A_88 = tpu.memref_slice %arg11[%run_scoped3A_74, %dma_start3A_87] : memref<8x512xf32, #tpu.memory_space<vmem>> -> memref<1x512xf32, #tpu.memory_space<vmem>>
      %dma_start3A_89 = tpu.memref_squeeze %dma_start3A_88 : memref<1x512xf32, #tpu.memory_space<vmem>> -> memref<512xf32, #tpu.memory_space<vmem>>
      tpu.enqueue_dma source(%dma_start3A_89 : memref<512xf32, #tpu.memory_space<vmem>>) target(%dma_start3A_86 : memref<512xf32, #tpu.memory_space<hbm>>) target_semaphore(%run_scoped3A_80 : memref<!tpu.dma_semaphore, #tpu.memory_space<semaphore_mem>>)
      %dma_wait3A = arith.constant 0 : i32
      %dma_wait3A_90 = tpu.memref_slice %arg11[%run_scoped3A_74, %dma_wait3A] : memref<8x512xf32, #tpu.memory_space<vmem>> -> memref<1x512xf32, #tpu.memory_space<vmem>>
      %dma_wait3A_91 = tpu.memref_squeeze %dma_wait3A_90 : memref<1x512xf32, #tpu.memory_space<vmem>> -> memref<512xf32, #tpu.memory_space<vmem>>
      %dma_wait3A_92 = tpu.memref_slice %arg5[%run_scoped3A_75, %mul3A_2] : memref<8x16384xf32, #tpu.memory_space<hbm>> -> memref<1x512xf32, #tpu.memory_space<hbm>>
      %dma_wait3A_93 = tpu.memref_squeeze %dma_wait3A_92 : memref<1x512xf32, #tpu.memory_space<hbm>> -> memref<512xf32, #tpu.memory_space<hbm>>
      %dma_wait3A_94 = tpu.memref_slice %arg5[%run_scoped3A_75, %mul3A_2] : memref<8x16384xf32, #tpu.memory_space<hbm>> -> memref<1x512xf32, #tpu.memory_space<hbm>>
      %dma_wait3A_95 = tpu.memref_squeeze %dma_wait3A_94 : memref<1x512xf32, #tpu.memory_space<hbm>> -> memref<512xf32, #tpu.memory_space<hbm>>
      %dma_wait3A_96 = arith.constant 0 : i32
      %dma_wait3A_97 = tpu.memref_slice %arg11[%run_scoped3A_74, %dma_wait3A_96] : memref<8x512xf32, #tpu.memory_space<vmem>> -> memref<1x512xf32, #tpu.memory_space<vmem>>
      %dma_wait3A_98 = tpu.memref_squeeze %dma_wait3A_97 : memref<1x512xf32, #tpu.memory_space<vmem>> -> memref<512xf32, #tpu.memory_space<vmem>>
      tpu.wait_dma2 semaphore(%run_scoped3A_80 : memref<!tpu.dma_semaphore, #tpu.memory_space<semaphore_mem>>) src(%dma_wait3A_98 : memref<512xf32, #tpu.memory_space<vmem>>) dst(%dma_wait3A_95 : memref<512xf32, #tpu.memory_space<hbm>>)
      tpu.yield
    }) : () -> ()
    %run_scoped3A_76 = arith.constant 6 : i32
    %run_scoped3A_77 = arith.constant 6 : i32
    "tpu.region"() ({
      %run_scoped3A_80 = tpu.sem_alloc : memref<!tpu.dma_semaphore, #tpu.memory_space<semaphore_mem>>
      %dma_start3A = arith.constant 0 : i32
      %dma_start3A_81 = tpu.memref_slice %arg11[%run_scoped3A_76, %dma_start3A] : memref<8x512xf32, #tpu.memory_space<vmem>> -> memref<1x512xf32, #tpu.memory_space<vmem>>
      %dma_start3A_82 = tpu.memref_squeeze %dma_start3A_81 : memref<1x512xf32, #tpu.memory_space<vmem>> -> memref<512xf32, #tpu.memory_space<vmem>>
      %dma_start3A_83 = tpu.memref_slice %arg5[%run_scoped3A_77, %mul3A_2] : memref<8x16384xf32, #tpu.memory_space<hbm>> -> memref<1x512xf32, #tpu.memory_space<hbm>>
      %dma_start3A_84 = tpu.memref_squeeze %dma_start3A_83 : memref<1x512xf32, #tpu.memory_space<hbm>> -> memref<512xf32, #tpu.memory_space<hbm>>
      %dma_start3A_85 = tpu.memref_slice %arg5[%run_scoped3A_77, %mul3A_2] : memref<8x16384xf32, #tpu.memory_space<hbm>> -> memref<1x512xf32, #tpu.memory_space<hbm>>
      %dma_start3A_86 = tpu.memref_squeeze %dma_start3A_85 : memref<1x512xf32, #tpu.memory_space<hbm>> -> memref<512xf32, #tpu.memory_space<hbm>>
      %dma_start3A_87 = arith.constant 0 : i32
      %dma_start3A_88 = tpu.memref_slice %arg11[%run_scoped3A_76, %dma_start3A_87] : memref<8x512xf32, #tpu.memory_space<vmem>> -> memref<1x512xf32, #tpu.memory_space<vmem>>
      %dma_start3A_89 = tpu.memref_squeeze %dma_start3A_88 : memref<1x512xf32, #tpu.memory_space<vmem>> -> memref<512xf32, #tpu.memory_space<vmem>>
      tpu.enqueue_dma source(%dma_start3A_89 : memref<512xf32, #tpu.memory_space<vmem>>) target(%dma_start3A_86 : memref<512xf32, #tpu.memory_space<hbm>>) target_semaphore(%run_scoped3A_80 : memref<!tpu.dma_semaphore, #tpu.memory_space<semaphore_mem>>)
      %dma_wait3A = arith.constant 0 : i32
      %dma_wait3A_90 = tpu.memref_slice %arg11[%run_scoped3A_76, %dma_wait3A] : memref<8x512xf32, #tpu.memory_space<vmem>> -> memref<1x512xf32, #tpu.memory_space<vmem>>
      %dma_wait3A_91 = tpu.memref_squeeze %dma_wait3A_90 : memref<1x512xf32, #tpu.memory_space<vmem>> -> memref<512xf32, #tpu.memory_space<vmem>>
      %dma_wait3A_92 = tpu.memref_slice %arg5[%run_scoped3A_77, %mul3A_2] : memref<8x16384xf32, #tpu.memory_space<hbm>> -> memref<1x512xf32, #tpu.memory_space<hbm>>
      %dma_wait3A_93 = tpu.memref_squeeze %dma_wait3A_92 : memref<1x512xf32, #tpu.memory_space<hbm>> -> memref<512xf32, #tpu.memory_space<hbm>>
      %dma_wait3A_94 = tpu.memref_slice %arg5[%run_scoped3A_77, %mul3A_2] : memref<8x16384xf32, #tpu.memory_space<hbm>> -> memref<1x512xf32, #tpu.memory_space<hbm>>
      %dma_wait3A_95 = tpu.memref_squeeze %dma_wait3A_94 : memref<1x512xf32, #tpu.memory_space<hbm>> -> memref<512xf32, #tpu.memory_space<hbm>>
      %dma_wait3A_96 = arith.constant 0 : i32
      %dma_wait3A_97 = tpu.memref_slice %arg11[%run_scoped3A_76, %dma_wait3A_96] : memref<8x512xf32, #tpu.memory_space<vmem>> -> memref<1x512xf32, #tpu.memory_space<vmem>>
      %dma_wait3A_98 = tpu.memref_squeeze %dma_wait3A_97 : memref<1x512xf32, #tpu.memory_space<vmem>> -> memref<512xf32, #tpu.memory_space<vmem>>
      tpu.wait_dma2 semaphore(%run_scoped3A_80 : memref<!tpu.dma_semaphore, #tpu.memory_space<semaphore_mem>>) src(%dma_wait3A_98 : memref<512xf32, #tpu.memory_space<vmem>>) dst(%dma_wait3A_95 : memref<512xf32, #tpu.memory_space<hbm>>)
      tpu.yield
    }) : () -> ()
    %run_scoped3A_78 = arith.constant 7 : i32
    %run_scoped3A_79 = arith.constant 7 : i32
    "tpu.region"() ({
      %run_scoped3A_80 = tpu.sem_alloc : memref<!tpu.dma_semaphore, #tpu.memory_space<semaphore_mem>>
      %dma_start3A = arith.constant 0 : i32
      %dma_start3A_81 = tpu.memref_slice %arg11[%run_scoped3A_78, %dma_start3A] : memref<8x512xf32, #tpu.memory_space<vmem>> -> memref<1x512xf32, #tpu.memory_space<vmem>>
      %dma_start3A_82 = tpu.memref_squeeze %dma_start3A_81 : memref<1x512xf32, #tpu.memory_space<vmem>> -> memref<512xf32, #tpu.memory_space<vmem>>
      %dma_start3A_83 = tpu.memref_slice %arg5[%run_scoped3A_79, %mul3A_2] : memref<8x16384xf32, #tpu.memory_space<hbm>> -> memref<1x512xf32, #tpu.memory_space<hbm>>
      %dma_start3A_84 = tpu.memref_squeeze %dma_start3A_83 : memref<1x512xf32, #tpu.memory_space<hbm>> -> memref<512xf32, #tpu.memory_space<hbm>>
      %dma_start3A_85 = tpu.memref_slice %arg5[%run_scoped3A_79, %mul3A_2] : memref<8x16384xf32, #tpu.memory_space<hbm>> -> memref<1x512xf32, #tpu.memory_space<hbm>>
      %dma_start3A_86 = tpu.memref_squeeze %dma_start3A_85 : memref<1x512xf32, #tpu.memory_space<hbm>> -> memref<512xf32, #tpu.memory_space<hbm>>
      %dma_start3A_87 = arith.constant 0 : i32
      %dma_start3A_88 = tpu.memref_slice %arg11[%run_scoped3A_78, %dma_start3A_87] : memref<8x512xf32, #tpu.memory_space<vmem>> -> memref<1x512xf32, #tpu.memory_space<vmem>>
      %dma_start3A_89 = tpu.memref_squeeze %dma_start3A_88 : memref<1x512xf32, #tpu.memory_space<vmem>> -> memref<512xf32, #tpu.memory_space<vmem>>
      tpu.enqueue_dma source(%dma_start3A_89 : memref<512xf32, #tpu.memory_space<vmem>>) target(%dma_start3A_86 : memref<512xf32, #tpu.memory_space<hbm>>) target_semaphore(%run_scoped3A_80 : memref<!tpu.dma_semaphore, #tpu.memory_space<semaphore_mem>>)
      %dma_wait3A = arith.constant 0 : i32
      %dma_wait3A_90 = tpu.memref_slice %arg11[%run_scoped3A_78, %dma_wait3A] : memref<8x512xf32, #tpu.memory_space<vmem>> -> memref<1x512xf32, #tpu.memory_space<vmem>>
      %dma_wait3A_91 = tpu.memref_squeeze %dma_wait3A_90 : memref<1x512xf32, #tpu.memory_space<vmem>> -> memref<512xf32, #tpu.memory_space<vmem>>
      %dma_wait3A_92 = tpu.memref_slice %arg5[%run_scoped3A_79, %mul3A_2] : memref<8x16384xf32, #tpu.memory_space<hbm>> -> memref<1x512xf32, #tpu.memory_space<hbm>>
      %dma_wait3A_93 = tpu.memref_squeeze %dma_wait3A_92 : memref<1x512xf32, #tpu.memory_space<hbm>> -> memref<512xf32, #tpu.memory_space<hbm>>
      %dma_wait3A_94 = tpu.memref_slice %arg5[%run_scoped3A_79, %mul3A_2] : memref<8x16384xf32, #tpu.memory_space<hbm>> -> memref<1x512xf32, #tpu.memory_space<hbm>>
      %dma_wait3A_95 = tpu.memref_squeeze %dma_wait3A_94 : memref<1x512xf32, #tpu.memory_space<hbm>> -> memref<512xf32, #tpu.memory_space<hbm>>
      %dma_wait3A_96 = arith.constant 0 : i32
      %dma_wait3A_97 = tpu.memref_slice %arg11[%run_scoped3A_78, %dma_wait3A_96] : memref<8x512xf32, #tpu.memory_space<vmem>> -> memref<1x512xf32, #tpu.memory_space<vmem>>
      %dma_wait3A_98 = tpu.memref_squeeze %dma_wait3A_97 : memref<1x512xf32, #tpu.memory_space<vmem>> -> memref<512xf32, #tpu.memory_space<vmem>>
      tpu.wait_dma2 semaphore(%run_scoped3A_80 : memref<!tpu.dma_semaphore, #tpu.memory_space<semaphore_mem>>) src(%dma_wait3A_98 : memref<512xf32, #tpu.memory_space<vmem>>) dst(%dma_wait3A_95 : memref<512xf32, #tpu.memory_space<hbm>>)
      tpu.yield
    }) : () -> ()
    return
  }
}

module attributes {stable_mosaic.version = 14 : i64} {
  func.func @_tc_add(%arg0: memref<16384xf32, #tpu.memory_space<vmem>>, %arg1: memref<16384xf32, #tpu.memory_space<vmem>>, %arg2: memref<16384xf32, #tpu.memory_space<vmem>>) attributes {dimension_semantics = [], scalar_prefetch = 0 : i64, scratch_operands = 0 : i64, tpu.core_type = #tpu.core_type<tc>} {
    %get3A = arith.constant 0 : index
    %get3A_0 = vector.load %arg0[%get3A] : memref<16384xf32, #tpu.memory_space<vmem>>, vector<16384xf32>
    %get3A_1 = arith.constant 0 : index
    %get3A_2 = vector.load %arg1[%get3A_1] : memref<16384xf32, #tpu.memory_space<vmem>>, vector<16384xf32>
    %add3A = arith.addf %get3A_0, %get3A_2 : vector<16384xf32>
    %swap3A = arith.constant 0 : index
    %swap3A_3 = vector.load %arg2[%swap3A] : memref<16384xf32, #tpu.memory_space<vmem>>, vector<16384xf32>
    tpu.vector_store %arg2[%swap3A], %add3A {strides = array<i32>} : memref<16384xf32, #tpu.memory_space<vmem>>, vector<16384xf32>,
    return
  }
}

module attributes {stable_mosaic.version = 14 : i64} {
  func.func @_tc_matvec(%arg0: i32, %arg1: memref<120x4096xf32, #tpu.memory_space<vmem>>, %arg2: memref<4x128xf32, #tpu.memory_space<vmem>>, %arg3: memref<4xf32, #tpu.memory_space<vmem>>, %arg4: memref<4096xf32, #tpu.memory_space<vmem>>) attributes {dimension_semantics = [#tpu.dimension_semantics<arbitrary>], iteration_bounds = array<i64: 4>, scalar_prefetch = 0 : i64, scratch_operands = 0 : i64, tpu.core_type = #tpu.core_type<tc>, window_params = [{transform_indices = @transform_0, window_bounds = array<i64: 120, 4096>}, {pipeline_mode = #tpu.pipeline_mode<synchronous>, transform_indices = @transform_1, window_bounds = array<i64: 4, 128>}, {pipeline_mode = #tpu.pipeline_mode<synchronous>, transform_indices = @transform_2, window_bounds = array<i64: 4>}, {transform_indices = @transform_3, window_bounds = array<i64: 4096>}]} {
    %get3A = arith.constant 0 : index
    %get3A_0 = arith.constant 0 : index
    %get3A_1 = vector.load %arg2[%get3A, %get3A_0] : memref<4x128xf32, #tpu.memory_space<vmem>>, vector<4x128xf32>
    %reduce_sum3A = arith.constant dense<0.000000e+00> : vector<128xf32>
    %reduce_sum3A_2 = vector.multi_reduction <add>, %get3A_1, %reduce_sum3A [0] : vector<4x128xf32> to vector<128xf32>
    %broadcast_in_dim3A = vector.shape_cast %reduce_sum3A_2 : vector<128xf32> to vector<1x128xf32>
    %mul3A = arith.constant 2.500000e-01 : f32
    %mul3A_3 = vector.broadcast %mul3A : f32 to vector<1x128xf32>
    %mul3A_4 = arith.mulf %broadcast_in_dim3A, %mul3A_3 : vector<1x128xf32>
    %get3A_5 = arith.constant 0 : index
    %get3A_6 = vector.load %arg3[%get3A_5] : memref<4xf32, #tpu.memory_space<vmem>>, vector<4xf32>
    %reduce_sum3A_7 = vector.shape_cast %get3A_6 : vector<4xf32> to vector<1x4xf32>
    %reduce_sum3A_8 = arith.constant dense<0.000000e+00> : vector<1xf32>
    %reduce_sum3A_9 = vector.multi_reduction <add>, %reduce_sum3A_7, %reduce_sum3A_8 [1] : vector<1x4xf32> to vector<1xf32>
    %reduce_sum3A_10 = vector.shape_cast %reduce_sum3A_9 : vector<1xf32> to vector<1x1xf32>
    %reduce_sum3A_11 = vector.extract %reduce_sum3A_10[0, 0] : f32 from vector<1x1xf32>
    %mul3A_12 = arith.constant 2.500000e-01 : f32
    %mul3A_13 = arith.mulf %reduce_sum3A_11, %mul3A_12 : f32
    %slice3A = vector.extract_strided_slice %mul3A_4 {offsets = [0, 0], sizes = [1, 120], strides = [1, 1]} : vector<1x128xf32> to vector<1x120xf32>
    %get3A_14 = arith.constant 0 : index
    %get3A_15 = arith.constant 0 : index
    %get3A_16 = vector.load %arg1[%get3A_14, %get3A_15] : memref<120x4096xf32, #tpu.memory_space<vmem>>, vector<120x4096xf32>
    %dot_general3A = arith.constant dense<0.000000e+00> : vector<1x4096xf32>
    %dot_general3A_17 = tpu.matmul %slice3A, %get3A_16, %dot_general3A {dimension_numbers = #tpu.dot_dimension_numbers<[1], [0], [0], [1], [0, 0, 1, 1], [], []>, transpose_lhs_hint = false} : vector<1x120xf32>, vector<120x4096xf32>, vector<1x4096xf32> -> vector<1x4096xf32>
    %squeeze3A = vector.shape_cast %dot_general3A_17 : vector<1x4096xf32> to vector<4096xf32>
    %add3A = vector.broadcast %mul3A_13 : f32 to vector<4096xf32>
    %add3A_18 = arith.addf %squeeze3A, %add3A : vector<4096xf32>
    %swap3A = arith.constant 0 : index
    %swap3A_19 = vector.load %arg4[%swap3A] : memref<4096xf32, #tpu.memory_space<vmem>>, vector<4096xf32>
    tpu.vector_store %arg4[%swap3A], %add3A_18 {strides = array<i32>} : memref<4096xf32, #tpu.memory_space<vmem>>, vector<4096xf32>,
    return
  }
  func.func @transform_0(%arg0: i32) -> (i32, i32) {
    %c0_i32 = arith.constant 0 : i32
    %c0_i32_0 = arith.constant 0 : i32
    return %c0_i32, %arg0 : i32, i32
  }
  func.func @transform_1(%arg0: i32) -> (i32, i32) {
    %c0_i32 = arith.constant 0 : i32
    %c0_i32_0 = arith.constant 0 : i32
    %c0_i32_1 = arith.constant 0 : i32
    return %c0_i32, %c0_i32_0 : i32, i32
  }
  func.func @transform_2(%arg0: i32) -> i32 {
    %c0_i32 = arith.constant 0 : i32
    %c0_i32_0 = arith.constant 0 : i32
    return %c0_i32 : i32
  }
  func.func @transform_3(%arg0: i32) -> i32 {
    %c0_i32 = arith.constant 0 : i32
    return %arg0 : i32
  }
}

</mosaic_0001>

<sc_bundles>
// kernel: kernel.5.cloned.1.call-start
scs
__scs_entry_jumppad:
0x0: {  	(pc) =	sbr.rel $0x88, $3  }
0x1: {  	(tag) =	ssettag $0x0;
	lr =	simm.s32 $0x1  }
0x2: {  	[smem:$0x3F9C] =	sst lr;
	_ =	strace $0xD0000000  }
0x3: {  	_ = 	snop  }
0x4: {  	_ = 	snop  }
0x5: {  	_ = 	snop  }
0x6: {  	_ = 	snop  }
0x7: {  	_ = 	snop  }
__scs_overlays_trampoline_lowered:
0x8: {  	[smem:$0x3FAB] =	sst s0  }
0x9: {  	[smem:$0x3FAC] =	sst s1  }
0xa: {  	[smem:$0x3FAD] =	sst s2  }
0xb: {  	[smem:$0x3FAE] =	sst s3  }
0xc: {  	[smem:$0x3FAF] =	sst s4  }
0xd: {  	[smem:$0x3FB0] =	sst s5  }
0xe: {  	[smem:$0x3FB1] =	sst s6  }
0xf: {  	[smem:$0x3FB2] =	sst s7  }
0x10: {  	[smem:$0x3FB3] =	sst s8  }
0x11: {  	[smem:$0x3FB4] =	sst s9;
	s0 =	simm.s32 @!p0 $0x0  }
0x12: {  	s1 =	sld [smem:$0x3F9A];
	s0 =	simm.s32 @p0 $0x1  }
0x13: {  	[smem:$0x3FB5] =	sst s0;
	s0 =	simm.s32 @!p1 $0x0  }
0x14: {  	s2 =	sld [smem:$0x3F99];
	s0 =	simm.s32 @p1 $0x1  }
0x15: {  	[smem:$0x3FB6] =	sst s0;
	s0 =	simm.s32 @!p2 $0x0  }
0x16: {  	s3 =	sld [smem:$0x3FDB];
	s0 =	simm.s32 @p2 $0x1  }
0x17: {  	s4 =	simm.s32 $0x1BF5;
	[smem:$0x3FB8] =	sst s0  }
0x18: {  	s0 =	sld [smem:$0x3F9B];
	_ =	swait.ge [sflag:s4], $0x0  }
0x19: {  	s7 =	sld [smem:$0x3F9C]  }
0x1a: {  	s8 =	sadd.s32 $0xFFFFE003, lr  }
0x1b: {  	s9 =	sadd.s32 $0xFFFFFEF7, lr;
	s5 =	simm.s32 $0xFFFFFFFF;
	p2 =	slt.u32 s8, $0xFFFFF086  }
0x1c: {  	p1 =	slt.u32 s9, $0xF7A;
	s5 =	simm.s32 @!p2 $0x0  }
0x1d: {  	s5 =	simm.s32 @p1 $0x1;
	p0 =	seq.s32 s7, s2  }
0x1e: {  	s7 =	smul.u32 @!p0 $0xF7A, s2;
	p2 =	seq.s32 @!p0 s5, $0x0  }
0x1f: {  	s9 =	smul.u32 $0xF7A, s1;
	s8 =	simm.s32 @!p0 $0x1BF5;
	p2 =	por !p2, p0  }
0x20: {  	[sflag:s8] =	ssyncset.s32 @!p0 $0xFFFFF086;
	s6 =	sadd.s32 @!p0 s3, s7;
	s7 =	simm.s32 @!p0 $0x108  }
0x21: {  	s3 =	sadd.s32 s3, s9;
	s6 =	sadd.s32 @!p0 $0x88, s6;
	s7 =	simm.s32 @p2 $0x1082  }
0x22: {  	[simem:s7], [sflag:s8] =	dma.local @!p0 [hbm:s6], $0xF7A  }
0x23: {  	s9 =	sor.u32 $0xD0000000, s2;
	s6 =	simm.s32 $0x108;
	_ =	swait.ge @!p0 [sflag:s8], $0x0  }
0x24: {  	s3 =	sadd.s32 $0x88, s3;
	s6 =	simm.s32 @!p1 $0x1082;
	[sflag:s4] =	ssyncset.s32 $0xFFFFF086  }
0x25: {  	[simem:s6], [sflag:s4] =	dma.local [hbm:s3], $0xF7A  }
0x26: {  	[smem:$0x3F9C] =	sst s1;
	(tag) =	ssettag s2;
	_ =	strace s9  }
0x27: {  	s1 =	sld [smem:$0x3FAC]  }
0x28: {  	s2 =	sld [smem:$0x3FAD]  }
0x29: {  	s4 =	sld [smem:$0x3FAF]  }
0x2a: {  	p0 =	seq.s32 s5, $0x0;
	s5 =	sld [smem:$0x3FB0]  }
0x2b: {  	s6 =	sld [smem:$0x3FB1]  }
0x2c: {  	s7 =	sld [smem:$0x3FB2]  }
0x2d: {  	s3 =	simm.s32 $0x108;
	s8 =	sld [smem:$0x3FB3]  }
0x2e: {  	s3 =	simm.s32 @!p0 $0x1082;
	s9 =	sld [smem:$0x3FB4]  }
0x2f: {  	lr =	sadd.s32 s0, s3;
	s0 =	sld [smem:$0x3FAB]  }
0x30: {  	s3 =	sld [smem:$0x3FAE]  }
0x31: {  	[smem:$0x3FB7] =	sst s10  }
0x32: {  	s10 =	sld [smem:$0x3FB5];
	_ =	sdelay $0x3  }
0x33: {  	p0 =	seq.s32 s10, $0x1;
	s10 =	sld [smem:$0x3FB7];
	_ =	sdelay $0x3  }
0x34: {  	[smem:$0x3FB7] =	sst s10  }
0x35: {  	s10 =	sld [smem:$0x3FB6];
	_ =	sdelay $0x3  }
0x36: {  	p1 =	seq.s32 s10, $0x1;
	s10 =	sld [smem:$0x3FB7];
	_ =	sdelay $0x3  }
0x37: {  	[smem:$0x3FB7] =	sst s10  }
0x38: {  	s10 =	sld [smem:$0x3FB8]  }
0x39: {  	_ = 	snop;
	(pc) =	sbr.ind lr, $3  }
0x3a: {  	_ = 	snop  }
0x3b: {  	_ = 	snop  }
0x3c: {  	p2 =	seq.s32 s10, $0x1;
	s10 =	sld [smem:$0x3FB7]  }
0x3d: {  	_ =	shalt  }
0x3e: {  	_ =	shalt  }
0x3f: {  	_ =	shalt  }
0x40: {  	_ =	shalt  }
0x41: {  	_ =	shalt  }
0x42: {  	_ =	shalt  }
0x43: {  	_ =	shalt  }
0x44: {  	_ =	shalt  }
0x45: {  	_ =	shalt  }
0x46: {  	_ =	shalt  }
0x47: {  	_ =	shalt  }
0x48: {  	_ =	shalt  }
0x49: {  	_ =	shalt  }
0x4a: {  	_ =	shalt  }
0x4b: {  	_ =	shalt  }
0x4c: {  	_ =	shalt  }
0x4d: {  	_ =	shalt  }
0x4e: {  	_ =	shalt  }
0x4f: {  	_ =	shalt  }
0x50: {  	_ =	shalt  }
0x51: {  	_ =	shalt  }
0x52: {  	_ =	shalt  }
0x53: {  	_ =	shalt  }
0x54: {  	_ =	shalt  }
0x55: {  	_ =	shalt  }
0x56: {  	_ =	shalt  }
0x57: {  	_ =	shalt  }
0x58: {  	_ =	shalt  }
0x59: {  	_ =	shalt  }
0x5a: {  	_ =	shalt  }
0x5b: {  	_ =	shalt  }
0x5c: {  	_ =	shalt  }
0x5d: {  	_ =	shalt  }
0x5e: {  	_ =	shalt  }
0x5f: {  	_ =	shalt  }
0x60: {  	_ =	shalt  }
0x61: {  	_ =	shalt  }
0x62: {  	_ =	shalt  }
0x63: {  	_ =	shalt  }
0x64: {  	_ =	shalt  }
0x65: {  	_ =	shalt  }
0x66: {  	_ =	shalt  }
0x67: {  	_ =	shalt  }
0x68: {  	_ =	shalt  }
0x69: {  	_ =	shalt  }
0x6a: {  	_ =	shalt  }
0x6b: {  	_ =	shalt  }
0x6c: {  	_ =	shalt  }
0x6d: {  	_ =	shalt  }
0x6e: {  	_ =	shalt  }
0x6f: {  	_ =	shalt  }
0x70: {  	_ =	shalt  }
0x71: {  	_ =	shalt  }
0x72: {  	_ =	shalt  }
0x73: {  	_ =	shalt  }
0x74: {  	_ =	shalt  }
0x75: {  	_ =	shalt  }
0x76: {  	_ =	shalt  }
0x77: {  	_ =	shalt  }
0x78: {  	_ =	shalt  }
0x79: {  	_ =	shalt  }
0x7a: {  	_ =	shalt  }
0x7b: {  	_ =	shalt  }
0x7c: {  	_ =	shalt  }
0x7d: {  	_ =	shalt  }
0x7e: {  	_ =	shalt  }
0x7f: {  	_ =	shalt  }
0x80: {  	_ =	shalt  }
0x81: {  	_ =	shalt  }
0x82: {  	_ =	shalt  }
0x83: {  	_ =	shalt  }
0x84: {  	_ =	shalt  }
0x85: {  	_ =	shalt  }
0x86: {  	_ =	shalt  }
0x87: {  	_ =	shalt  }
.Lfunc_end0:
.L_simem_size_0:
called_computation_lowered:
.L_overlay_start_0:
0x88: {  	s2 =	sld [smem:$0x3FD9]  }
0x89: {  	s3 =	sld [smem:$0x3FFE];
	_ =	sdelay $0x1  }
0x8a: {  	s1 =	srdreg.scid  }
0x8b: {  	s0 =	sand.u32 $0x1, s1  }
0x8c: {  	s14 =	sshll.u32 s0, $0xA;
	s2 =	sadd.s32 s3, s2  }
0x8d: {  	s2 =	sadd.s32 s2, s14  }
0x8e: {  	[smem:$0x3FC3] =	sst s2  }
0x8f: {  	_ = 	snop  }
0x90: {  	s2 =	sld [smem:$0x3FD0];
	_ =	sdelay $0x1  }
0x91: {  	s15 =	sld [smem:$0x3FC8]  }
0x92: {  	s5 =	simm.s32 $0xA;
	s6 =	simm.s32 $0x10;
	s4 =	sld [smem:$0x3FC6]  }
0x93: {  	[smem:s6], [sflag:s5] =	dma.local [hbm:s2], $0x1  }
0x94: {  	_ =	swait.eq [sflag:s5], $0x1  }
0x95: {  	[sflag:s5] =	ssyncset.done $0x0  }
0x96: {  	s16 =	sld [smem:$0x10];
	[sflag:s5] =	ssyncadd.s32 $0xFFFFFFFF  }
0x97: {  	s17 =	sld [smem:$0x11];
	(tm) =	ssettm $0x1  }
0x98: {  	s18 =	sld [smem:$0x3FFB];
	_ =	sdelay $0x3  }
0x99: {  	_ =	strace s18  }
0x9a: {  	s6 =	sld [smem:$0x3FFC];
	_ =	sdelay $0x3  }
0x9b: {  	_ =	strace s6  }
0x9c: {  	s6 =	sld [smem:$0x3FFD];
	_ =	sdelay $0x3  }
0x9d: {  	_ =	strace s6  }
0x9e: {  	_ =	strace $0x8FFFFFFF  }
0x9f: {  	s19 =	sld [smem:$0x3FDB];
	_ =	sdelay $0x1  }
0xa0: {  	s7 =	simm.s32 $_scs_section_size  }
0xa1: {  	s8 =	simm.s32 $_size__tile_overlayer_lowered;
	s9 =	simm.s32 $_tile_overlayer_lowered  }
0xa2: {  	s22 =	simm.s32 $0x1BFF;
	s21 =	sshll.u32 s9, $0x1;
	s6 =	sadd.s32 s7, s19  }
0xa3: {  	s10 =	simm.s32 $0x0;
	s20 =	sshll.u32 s8, $0x1;
	s8 =	sadd.s32 s21, s6  }
0xa4: {  	[timem:s10], [sflag:s22] =	dma.local [hbm:s8], s20  }
0xa5: {  	_ =	swait.ge [sflag:s22], s20  }
0xa6: {  	s7 =	ssub.s32 $0x0, s20;
	[sflag:s22] =	ssyncset.done $0x0  }
0xa7: {  	[sflag:s22] =	ssyncadd.s32 s7;
	_ =	sdelay $0x1  }
0xa8: {  	s23 =	simm.s32 $0x1B8B  }
0xa9: {  	_ =	swait.ge [sflag:s23], $0x1  }
0xaa: {  	[sflag:s23] =	ssyncset.done $0x0  }
0xab: {  	s25 =	simm.s32 $0x1B8E;
	s24 =	sld [smem:$0x3FFE];
	[sflag:s23] =	ssyncadd.s32 $0xFFFFFFFF  }
0xac: {  	s26 =	simm.s32 $execute0_lowered;
	[smem:$0x3FD2] =	sst s25  }
0xad: {  	s8 =	sshll.u32 s26, $0x1;
	_ =	strace $0x80000046;
	[dreg:$0x1] =	wrdreg $0xFFFFFFFF  }
0xae: {  	s28 =	simm.s32 $_size_execute0_lowered;
	s6 =	sadd.s32 s6, s8;
	[dreg:$0x0] =	wrdreg $0x0  }
0xaf: {  	s8 =	sshll.u32 s28, $0x1;
	[dreg:$0x2] =	wrdreg s6  }
0xb0: {  	[dreg:$0x3] =	wrdreg s8  }
0xb1: {  	[dreg:$0x4] =	wrdreg $0xC0  }
0xb2: {  	_ =	task [dreg:s10], $0x5FFFF  }
0xb3: {  	[dreg:$0x1] =	wrdreg $0xFFFFFFFF  }
0xb4: {  	[dreg:$0x0] =	wrdreg $0x60  }
0xb5: {  	[dreg:$0x2] =	wrdreg s15  }
0xb6: {  	[dreg:$0x3] =	wrdreg s17  }
0xb7: {  	[dreg:$0x4] =	wrdreg s4  }
0xb8: {  	[dreg:$0x5] =	wrdreg s24  }
0xb9: {  	[dreg:$0x6] =	wrdreg s16  }
0xba: {  	[dreg:$0x7] =	wrdreg $0x9  }
0xbb: {  	_ =	task.clear_ibuf [dreg:s10], $0x8FFFF;
	_ =	strace $0x90000046  }
0xbc: {  	s29 =	simm.s32 $0x9;
	_ =	strace $0x80000048  }
0xbd: {  	_ =	swait.ge [sflag:s29], $0x1  }
0xbe: {  	[sflag:s29] =	ssyncadd.s32 $0xFFFFFFFF  }
0xbf: {  	_ =	strace $0x90000048  }
0xc0: {  	_ =	sfence  }
0xc1: {  	s30 =	sld [smem:$0x0];
	_ =	sdelay $0x2  }
0xc2: {  	s31 =	sshll.u32 s1, $0xD;
	s1 =	sshrl.u32 s1, $0x2  }
0xc3: {  	s3 =	sand.u32 $0x4000, s31;
	s1 =	sadd.s32 s1, s30  }
0xc4: {  	s0 =	sor.u32 s3, s0;
	s1 =	sshll.u32 s1, $0x11  }
0xc5: {  	s0 =	sor.u32 s1, s0  }
0xc6: {  	s0 =	sadd.s32 $0x8F2B, s0  }
0xc7: {  	[sflag:s0] =	ssyncadd.remote.s32 $0x1  }
0xc8: {  	_ =	sfence.sel $0xFFFF  }
0xc9: {  	[dreg:$0x0] =	wrdreg $0xFFFFFFFF;
	(pc) =	sbr.abs _section_cstart, $3  }
0xca: {  	[dreg:$0x1] =	wrdreg $0xFFFFFFFF  }
0xcb: {  	_ =	task.clear_ibuf [dreg:s10], $0x2FFFF;
	_ =	strace $0x9FFFFFFF  }
0xcc: {  	(tm) =	ssettm $0x7FFFFFFF  }
0xcd: {  	_ =	shalt  }
tec
execute0_lowered:
.L_overlay_start_1:
0x0: {  	(tag) =	ssettag $0x1  }
0x1: {  	s0 =	rddreg [dreg:$0x0]  }
0x2: {  	s1 =	rddreg [dreg:$0x3]  }
0x3: {  	s2 =	rddreg [dreg:$0x4];
	s4 =	simm.s32 $0x0;
	s3 =	srdreg.scid  }
0x4: {  	s5 =	stileid.u32;
	s16 =	simm.s32 $0x1;
	s17 =	simm.s32 $0x200  }
0x5: {  	s19 =	simm.s32 $0x16C0;
	s22 =	simm.s32 $0x18D0;
	s23 =	simm.s32 $0x1AD0  }
0x6: {  	s24 =	simm.s32 $0x1CD0;
	s25 =	simm.s32 $0x1ED0;
	s26 =	simm.s32 $0x20D0  }
0x7: {  	s28 =	simm.s32 $0x22D0;
	s29 =	simm.s32 $0x24D0;
	s3 =	sand.u32 $0x1, s3  }
0x8: {  	s30 =	simm.s32 $0x0;
	s5 =	sshll.u32 s5, $0x7;
	s6 =	sshll.u32 s3, $0x6  }
0x9: {  	[smem:$0x7FF] =	sst s4;
	s3 =	ssub.s32 $0x2, s3;
	s6 =	sor.u32 s6, s5  }
0xa: {  	_ =	strace $0x80000047;
	s31 =	sshrl.u32 s3, $0x1;
	s1 =	sadd.s32 s6, s1  }
0xb: {  	s3 =	ssub.s32 s3, s31;
	s5 =	sadd.s32 s0, s6;
	s6 =	sadd.s32 s2, s6  }
0xc: {  	s7 =	sadd.s32 $0x1000, s1;
	s8 =	sadd.s32 $0x1800, s1;
	s9 =	sadd.s32 $0x2000, s1  }
0xd: {  	s10 =	sadd.s32 $0x2800, s1;
	s11 =	sadd.s32 $0x3000, s1;
	s12 =	sadd.s32 $0x3800, s1  }
0xe: {  	s13 =	sadd.s32 $0x4000, s1;
	s14 =	sadd.s32 $0x4800, s1;
	s15 =	smax.u32 s3, $0x1  }
.LBB2_1:
0xf: {  	[tilespmem:s4], [sflag:$0x1] =	stream.linear.gather [hbm4b:s5+s4], $0x200, $0x38;
	[tilespmem:$0x28D0] =	vst v63  }
0x10: {  	_ =	swait.ge [sflag:s16], $0x200  }
0x11: {  	[sflag:s16] =	ssyncset.done $0x0  }
0x12: {  	[sflag:s16] =	ssyncadd.s32 $0xFFFFFE00  }
0x13: {  	s0 =	rddreg [dreg:$0x1]  }
0x14: {  	[tilespmem:s17], [sflag:$0x1] =	stream.linear.gather [hbm4b:s0+s4], $0x12C0, $0x38;
	[tilespmem:$0x28D0] =	vst v63  }
0x15: {  	_ =	swait.ge [sflag:s16], $0x12C0  }
0x16: {  	[sflag:s16] =	ssyncset.done $0x0  }
0x17: {  	[sflag:s16] =	ssyncadd.s32 $0xFFFFED40  }
0x18: {  	s1 =	simm.s32 $0x14C0;
	s3 =	rddreg [dreg:$0x2]  }
0x19: {  	[tilespmem:s1], [sflag:$0x1] =	stream.linear.gather [hbm4b:s3+s4], $0x200, $0x38;
	[tilespmem:$0x28D0] =	vst v63  }
0x1a: {  	_ =	swait.ge [sflag:s16], $0x200  }
0x1b: {  	[sflag:s16] =	ssyncset.done $0x0  }
0x1c: {  	[sflag:s16] =	ssyncadd.s32 $0xFFFFFE00  }
0x1d: {  	v0 =	vld [tilespmem:$0x1530]  }
0x1e: {  	v1 =	vld [tilespmem:$0x15B0];
	_ =	sdelay $0x1  }
0x1f: {  	v2 =	vld [tilespmem:$0x1630];
	_ =	sdelay $0x1  }
0x20: {  	v3 =	vld [tilespmem:$0x16B0]  }
0x21: {  	v0 =	vadd.f32 v1, v0;
	_ =	sdelay $0x1  }
0x22: {  	v0 =	vadd.f32 v2, v0;
	_ =	sdelay $0x1  }
0x23: {  	v0 =	vadd.f32 v3, v0;
	_ =	sdelay $0x1  }
0x24: {  	v0 =	vmul.f32 $2.500000000e-01, v0;
	_ =	sdelay $0x1  }
0x25: {  	[tilespmem:$0x16C0] =	vst v0;
	v0 =	vimm.s32 $0x8;
	_ =	sdelay $0x4  }
0x26: {  	v7 =	vld.idx.msk [tilespmem:v0+s19+$0x0], $0xffff;
	v0 =	vimm.s32 $0x9;
	_ =	sdelay $0x4  }
0x27: {  	v13 =	vld.idx.msk [tilespmem:v0+s19+$0x0], $0xffff;
	v0 =	vimm.s32 $0xA;
	_ =	sdelay $0x4  }
0x28: {  	v12 =	vld.idx.msk [tilespmem:v0+s19+$0x0], $0xffff;
	v0 =	vimm.s32 $0xB;
	_ =	sdelay $0x4  }
0x29: {  	v10 =	vld.idx.msk [tilespmem:v0+s19+$0x0], $0xffff;
	v0 =	vimm.s32 $0xC;
	_ =	sdelay $0x1  }
0x2a: {  	s18 =	simm.s32 $0x20  }
0x2b: {  	v1 =	vimm.s32 $0xE;
	v41 =	vld [tilespmem:s18+$0xFFFFFFE0]  }
0x2c: {  	v2 =	vimm.s32 $0xF;
	v24 =	vld [tilespmem:s18+$0x0]  }
0x2d: {  	v6 =	vld.idx.msk [tilespmem:v0+s19+$0x0], $0xffff;
	v0 =	vimm.s32 $0xD;
	_ =	sdelay $0x1  }
0x2e: {  	v44 =	vld [tilespmem:s18+$0xFFFFFFF0]  }
0x2f: {  	v9 =	vld.idx.msk [tilespmem:v1+s19+$0x0], $0xffff  }
0x30: {  	v8 =	vld.idx.msk [tilespmem:v2+s19+$0x0], $0xffff  }
0x31: {  	v11 =	vld.idx.msk [tilespmem:v0+s19+$0x0], $0xffff  }
0x32: {  	v0 =	vld.idx.msk [tilespmem:v41+s17+$0x0], $0xffff  }
0x33: {  	v45 =	vld [tilespmem:s18+$0x10];
	v1 =	vadd.s32 $0x258, v41  }
0x34: {  	s20 =	simm.s32 $0x60;
	v14 =	vld.idx.msk [tilespmem:v24+s17+$0x0], $0xffff  }
0x35: {  	v22 =	vld [tilespmem:s20+$0xFFFFFFE0];
	v15 =	vadd.s32 $0x258, v24  }
0x36: {  	v23 =	vld [tilespmem:s20+$0x0]  }
0x37: {  	v19 =	vld [tilespmem:s20+$0xFFFFFFF0];
	[tilespmem:s25+$0xFFFFF800] =	vst v0  }
0x38: {  	v1 =	vld.idx.msk [tilespmem:v1+s17+$0x0], $0xffff  }
0x39: {  	v16 =	vadd.s32 $0x4B0, v41;
	v2 =	vld.idx.msk [tilespmem:v44+s17+$0x0], $0xffff;
	[tilespmem:s25+$0xFFFFF820] =	vst v14  }
0x3a: {  	v3 =	vadd.s32 $0x258, v44;
	v25 =	vld.idx.msk [tilespmem:v15+s17+$0x0], $0xffff  }
0x3b: {  	v20 =	vld [tilespmem:s20+$0x10];
	v15 =	vadd.s32 $0x4B0, v24  }
0x3c: {  	v26 =	vld.idx.msk [tilespmem:v45+s17+$0x0], $0xffff  }
0x3d: {  	v31 =	vld.idx.msk [tilespmem:v22+s17+$0x0], $0xffff;
	[tilespmem:s25+$0xFFFFFA00] =	vst v1  }
0x3e: {  	v27 =	vadd.s32 $0x258, v45;
	[tilespmem:s25+$0xFFFFF810] =	vst v2;
	v16 =	vld.idx.msk [tilespmem:v16+s17+$0x0], $0xffff  }
0x3f: {  	v18 =	vadd.s32 $0x708, v41;
	v3 =	vld.idx.msk [tilespmem:v3+s17+$0x0], $0xffff;
	[tilespmem:s25+$0xFFFFFA20] =	vst v25  }
0x40: {  	v28 =	vadd.s32 $0x4B0, v44;
	v29 =	vld.idx.msk [tilespmem:v15+s17+$0x0], $0xffff  }
0x41: {  	v35 =	vld.idx.msk [tilespmem:v19+s17+$0x0], $0xffff;
	v15 =	vadd.s32 $0x708, v24  }
0x42: {  	v37 =	vld.idx.msk [tilespmem:v23+s17+$0x0], $0xffff;
	[tilespmem:s25+$0xFFFFF830] =	vst v26  }
0x43: {  	v32 =	vadd.s32 $0x258, v22;
	v27 =	vld.idx.msk [tilespmem:v27+s17+$0x0], $0xffff;
	[tilespmem:s25+$0xFFFFFC00] =	vst v16  }
0x44: {  	[tilespmem:s25+$0xFFFFFA10] =	vst v3;
	v30 =	vld.idx.msk [tilespmem:v18+s17+$0x0], $0xffff;
	v18 =	vadd.s32 $0x4B0, v45  }
0x45: {  	v36 =	vadd.s32 $0x258, v19;
	v28 =	vld.idx.msk [tilespmem:v28+s17+$0x0], $0xffff;
	[tilespmem:s25+$0xFFFFFC20] =	vst v29  }
0x46: {  	s31 =	simm.s32 $0x1F10;
	s21 =	simm.s32 $0xA0;
	v33 =	vld.idx.msk [tilespmem:v15+s17+$0x0], $0xffff;
	v15 =	vadd.s32 $0x708, v44  }
0x47: {  	v38 =	vadd.s32 $0x258, v23;
	v50 =	vmul.f32 v14, v7;
	[tilespmem:s31+$0xFFFFF800] =	vst v31;
	v14 =	vld [tilespmem:s21+$0xFFFFFFF0]  }
0x48: {  	v34 =	vadd.s32 $0x960, v24;
	v32 =	vld.idx.msk [tilespmem:v32+s17+$0x0], $0xffff;
	[tilespmem:s25+$0xFFFFFA30] =	vst v27  }
0x49: {  	[tilespmem:s31+$0xFFFFF810] =	vst v35;
	v39 =	vld.idx.msk [tilespmem:v18+s17+$0x0], $0xffff  }
0x4a: {  	v36 =	vld.idx.msk [tilespmem:v36+s17+$0x0], $0xffff;
	v0 =	vmul.f32 v0, v7;
	[tilespmem:s25+$0xFFFFFC10] =	vst v28;
	v18 =	vadd.s32 $0x708, v45  }
0x4b: {  	[tilespmem:s31+$0xFFFFF820] =	vst v37;
	v48 =	vld.idx.msk [tilespmem:v15+s17+$0x0], $0xffff;
	v15 =	vadd.s32 $0x4B0, v22  }
0x4c: {  	v38 =	vld.idx.msk [tilespmem:v38+s17+$0x0], $0xffff;
	v0 =	vadd.f32 $0.0e+00, v0;
	v1 =	vmul.f32 v1, v13;
	[tilespmem:s25+$0xFFFFFE20] =	vst v33  }
0x4d: {  	v62 =	vadd.s32 $0x960, v41;
	v40 =	vld.idx.msk [tilespmem:v34+s17+$0x0], $0xffff  }
0x4e: {  	v47 =	vadd.s32 $0xBB8, v24;
	v0 =	vadd.f32 v1, v0;
	v1 =	vmul.f32 v16, v12;
	v16 =	vld [tilespmem:s21+$0x10];
	[tilespmem:s25+$0xFFFFFC30] =	vst v39  }
0x4f: {  	[tilespmem:s31+$0xFFFFFA00] =	vst v32;
	v42 =	vld.idx.msk [tilespmem:v18+s17+$0x0], $0xffff  }
0x50: {  	v46 =	vadd.s32 $0x960, v45;
	v43 =	vld.idx.msk [tilespmem:v15+s17+$0x0], $0xffff  }
0x51: {  	v15 =	vld [tilespmem:s21+$0x0];
	[tilespmem:s25+$0xFFFFFE00] =	vst v30  }
0x52: {  	v49 =	vld.idx.msk [tilespmem:v62+s17+$0x0], $0xffff;
	[tilespmem:s25+$0x20] =	vst v40  }
0x53: {  	v4 =	vmul.f32 v35, v7;
	v47 =	vld.idx.msk [tilespmem:v47+s17+$0x0], $0xffff  }
0x54: {  	v0 =	vadd.f32 v1, v0;
	v1 =	vmul.f32 v30, v10;
	v30 =	vadd.s32 $0x960, v44;
	v18 =	vld [tilespmem:s21+$0xFFFFFFE0];
	[tilespmem:s25+$0xFFFFFE30] =	vst v42  }
0x55: {  	v51 =	vadd.s32 $0x708, v22;
	v46 =	vld.idx.msk [tilespmem:v46+s17+$0x0], $0xffff;
	[tilespmem:$0x1FF60] =	vst v4  }
0x56: {  	v53 =	vadd.s32 $0x4B0, v23;
	[tilespmem:s31+$0xFFFFFC00] =	vst v43  }
0x57: {  	v56 =	vmul.f32 v27, v13;
	v34 =	vadd.f32 v1, v0;
	v35 =	vld.idx.msk [tilespmem:v20+s17+$0x0], $0xffff;
	[tilespmem:s25+$0xFFFFFE10] =	vst v48  }
0x58: {  	v27 =	vadd.s32 $0xBB8, v41;
	v0 =	vmul.f32 v29, v12;
	v29 =	vmul.f32 v38, v13;
	[tilespmem:s31+$0xFFFFFA20] =	vst v38;
	v38 =	vld.idx.msk [tilespmem:v14+s17+$0x0], $0xffff  }
0x59: {  	v54 =	vmul.f32 v26, v7;
	v26 =	vmul.f32 v31, v7;
	v31 =	vadd.s32 $0xE10, v24;
	[tilespmem:s31+$0xFFFFFA10] =	vst v36;
	v30 =	vld.idx.msk [tilespmem:v30+s17+$0x0], $0xffff  }
0x5a: {  	v57 =	vmul.f32 v40, v6;
	v40 =	vadd.s32 $0x4B0, v19;
	[tilespmem:s25+$0x220] =	vst v47;
	v51 =	vld.idx.msk [tilespmem:v51+s17+$0x0], $0xffff  }
0x5b: {  	v58 =	vadd.s32 $0xBB8, v45;
	[tilespmem:s25+$0x0] =	vst v49;
	v53 =	vld.idx.msk [tilespmem:v53+s17+$0x0], $0xffff  }
0x5c: {  	v63 =	vadd.f32 $0.0e+00, v26;
	v32 =	vmul.f32 v32, v13;
	v1 =	vadd.s32 $0x258, v20;
	v4 =	vld.idx.msk [tilespmem:v18+s17+$0x0], $0xffff;
	[tilespmem:s25+$0x30] =	vst v46  }
0x5d: {  	v59 =	vadd.s32 $0xBB8, v44;
	v62 =	vmul.f32 v39, v12;
	v39 =	vmul.f32 v49, v6;
	v49 =	vld.idx.msk [tilespmem:v27+s17+$0x0], $0xffff;
	[tilespmem:s31+$0xFFFFF830] =	vst v35  }
0x5e: {  	v52 =	vmul.f32 v25, v13;
	v32 =	vadd.f32 v32, v63;
	v63 =	vld.idx.msk [tilespmem:v31+s17+$0x0], $0xffff;
	v27 =	vadd.f32 $0.0e+00, v50;
	[tilespmem:s25+$0x10] =	vst v30  }
0x5f: {  	v2 =	vmul.f32 v2, v7;
	v26 =	vmul.f32 v36, v13;
	v61 =	vadd.s32 $0x258, v18;
	v36 =	vld.idx.msk [tilespmem:v40+s17+$0x0], $0xffff;
	[tilespmem:s31+$0xFFFFFE00] =	vst v51  }
0x60: {  	s0 =	simm.s32 $0x1F50;
	v5 =	vmul.f32 v47, v11;
	v50 =	vadd.s32 $0x708, v23;
	v47 =	vadd.f32 v52, v27;
	v52 =	vld.idx.msk [tilespmem:v58+s17+$0x0], $0xffff;
	[tilespmem:s31+$0xFFFFFC20] =	vst v53  }
0x61: {  	v3 =	vmul.f32 v3, v13;
	v55 =	vmul.f32 v28, v12;
	v1 =	vld.idx.msk [tilespmem:v1+s17+$0x0], $0xffff;
	[tilespmem:s0+$0xFFFFF800] =	vst v4  }
0x62: {  	v27 =	vmul.f32 v35, v7;
	v35 =	vadd.s32 $0x1068, v24;
	v24 =	vmul.f32 v51, v10;
	v51 =	vld.idx.msk [tilespmem:v59+s17+$0x0], $0xffff;
	[tilespmem:$0x1FF70] =	vst v6  }
0x63: {  	v28 =	vmul.f32 v37, v7;
	v43 =	vmul.f32 v43, v12;
	[tilespmem:s25+$0x200] =	vst v49  }
0x64: {  	v2 =	vadd.f32 $0.0e+00, v2;
	v37 =	vmul.f32 v42, v10;
	v17 =	vmul.f32 v38, v7;
	v40 =	vld.idx.msk [tilespmem:v61+s17+$0x0], $0xffff;
	[tilespmem:s25+$0x420] =	vst v63  }
0x65: {  	v32 =	vadd.f32 v43, v32;
	v43 =	vadd.s32 $0x4B0, v20;
	v42 =	vmul.f32 v46, v6;
	v61 =	vld.idx.msk [tilespmem:v50+s17+$0x0], $0xffff;
	[tilespmem:s0+$0xFFFFF810] =	vst v38  }
0x66: {  	v0 =	vadd.f32 v0, v47;
	v46 =	vmul.f32 v30, v6;
	v6 =	vadd.s32 $0xE10, v41;
	v47 =	vld.idx.msk [tilespmem:v15+s17+$0x0], $0xffff;
	[tilespmem:$0x1FF80] =	vst v17  }
0x67: {  	v2 =	vadd.f32 v3, v2;
	v33 =	vmul.f32 v33, v10;
	v58 =	vadd.s32 $0xE10, v45;
	[tilespmem:s31+$0xFFFFFA30] =	vst v1  }
0x68: {  	v30 =	vadd.f32 v24, v32;
	v32 =	vmul.f32 v53, v12;
	v53 =	vld.idx.msk [tilespmem:v35+s17+$0x0], $0xffff;
	[tilespmem:$0x1FF90] =	vst v7  }
0x69: {  	v3 =	vadd.s32 $0x708, v19;
	[tilespmem:s25+$0x230] =	vst v52  }
0x6a: {  	v0 =	vadd.f32 v33, v0;
	v59 =	vadd.f32 v55, v2;
	v55 =	vld.idx.msk [tilespmem:v43+s17+$0x0], $0xffff;
	[tilespmem:s31+$0xFFFFFC10] =	vst v36  }
0x6b: {  	v33 =	vadd.s32 $0x960, v23;
	v2 =	vmul.f32 v63, v9;
	[tilespmem:s25+$0x210] =	vst v51;
	v63 =	vld.idx.msk [tilespmem:v6+s17+$0x0], $0xffff  }
0x6c: {  	v0 =	vadd.f32 v57, v0;
	v7 =	vmul.f32 v4, v7;
	v4 =	vadd.s32 $0xE10, v44;
	v57 =	vld.idx.msk [tilespmem:v58+s17+$0x0], $0xffff;
	[tilespmem:$0x1FFA0] =	vst v13  }
0x6d: {  	[tilespmem:s31+$0xFFFFFE20] =	vst v61  }
0x6e: {  	v60 =	vadd.s32 $0x258, v14;
	v38 =	vld.idx.msk [tilespmem:v3+s17+$0x0], $0xffff;
	[tilespmem:$0x1FFB0] =	vst v11  }
0x6f: {  	[tilespmem:s0+$0xFFFFF820] =	vst v47  }
0x70: {  	v50 =	vmul.f32 v49, v11;
	v49 =	vadd.s32 $0x258, v15;
	v58 =	vadd.f32 $0.0e+00, v54;
	v54 =	vld.idx.msk [tilespmem:v33+s17+$0x0], $0xffff;
	[tilespmem:s25+$0x620] =	vst v53  }
0x71: {  	v31 =	vadd.s32 $0x258, v16;
	v35 =	vmul.f32 v36, v12;
	v5 =	vadd.f32 v5, v0;
	v0 =	vld.idx.msk [tilespmem:v4+s17+$0x0], $0xffff;
	[tilespmem:$0x1FFC0] =	vst v8  }
0x72: {  	v36 =	vmul.f32 v1, v13;
	v6 =	vadd.s32 $0x708, v20;
	v1 =	vadd.s32 $0x1068, v41;
	[tilespmem:s31+$0xFFFFFC30] =	vst v55  }
0x73: {  	v43 =	vadd.f32 $0.0e+00, v7;
	v4 =	vadd.f32 v2, v5;
	v5 =	vmul.f32 v53, v8;
	v53 =	vld.idx.msk [tilespmem:v60+s17+$0x0], $0xffff;
	[tilespmem:$0x1FFD0] =	vst v12  }
0x74: {  	v3 =	vadd.f32 v56, v58;
	v56 =	vmul.f32 v52, v11;
	v58 =	vmul.f32 v51, v11;
	[tilespmem:s0+$0xFFFFFA00] =	vst v40  }
0x75: {  	v33 =	vmul.f32 v61, v10;
	v61 =	vadd.s32 $0x4B0, v18;
	v2 =	vadd.s32 $0x1068, v44;
	v44 =	vmovc v16;
	v51 =	vld.idx.msk [tilespmem:v49+s17+$0x0], $0xffff;
	[tilespmem:$0x1FFE0] =	vst v9  }
0x76: {  	s2 =	simm.s32 $0x26F0;
	s3 =	simm.s32 $0x2730;
	s1 =	simm.s32 $0x2730;
	v41 =	vmul.f32 v55, v12;
	v62 =	vadd.f32 v62, v3;
	v3 =	vmul.f32 v48, v10;
	[tilespmem:s25+$0x400] =	vst v63  }
0x77: {  	s20 =	simm.s32 $0x80;
	s18 =	simm.s32 $0x1ED0;
	s21 =	simm.s32 $0xE0;
	v60 =	vadd.s32 $0x1068, v45;
	v52 =	vmul.f32 v57, v9;
	v55 =	vadd.f32 v5, v4;
	v49 =	vld.idx.msk [tilespmem:v6+s17+$0x0], $0xffff;
	[tilespmem:$0x1FFF0] =	vst v10  }
.LBB2_2:
0x78: {  	v11 =	vld [tilespmem:$0x1FF90]  }
0x79: {  	v1 =	vld.idx.msk [tilespmem:v1+s17+$0x0], $0xffff  }
0x7a: {  	v5 =	vld.idx.msk [tilespmem:v61+s17+$0x0], $0xffff  }
0x7b: {  	v10 =	vld [tilespmem:$0x1FF70]  }
0x7c: {  	v21 =	vld [tilespmem:$0x1FFE0]  }
0x7d: {  	v13 =	vld [tilespmem:$0x1FFA0]  }
0x7e: {  	v24 =	vld [tilespmem:$0x1FFF0]  }
0x7f: {  	[tilespmem:s18+$0x430] =	vst v57;
	v17 =	vld [tilespmem:$0x1FFC0]  }
0x80: {  	v45 =	vmov v18;
	v6 =	vadd.s32 $0x960, v22;
	v18 =	vadd.f32 v39, v34;
	v25 =	vld [tilespmem:$0x1FFD0];
	[tilespmem:s2+$0x0] =	vst v55  }
0x81: {  	v9 =	vadd.s32 $0x960, v20;
	v4 =	vadd.f32 v37, v62;
	[tilespmem:s18+$0x410] =	vst v0;
	v57 =	vld [tilespmem:s21+$0x0]  }
0x82: {  	v7 =	vadd.s32 $0xBB8, v23;
	v3 =	vadd.f32 v3, v59;
	v59 =	vadd.f32 v50, v18;
	v18 =	vld [tilespmem:s21+$0xFFFFFFE0];
	[tilespmem:s31+$0x20] =	vst v54  }
0x83: {  	[tilespmem:s0+$0xFFFFFA10] =	vst v53;
	v34 =	vmul.f32 v0, v21;
	v0 =	vld.idx.msk [tilespmem:v60+s17+$0x0], $0xffff  }
0x84: {  	v3 =	vadd.f32 v46, v3;
	v4 =	vadd.f32 v42, v4;
	v2 =	vld.idx.msk [tilespmem:v2+s17+$0x0], $0xffff;
	[tilespmem:s31+$0xFFFFFE30] =	vst v49  }
0x85: {  	v48 =	vmul.f32 v54, v10;
	v60 =	vmul.f32 v63, v21;
	v6 =	vld.idx.msk [tilespmem:v6+s17+$0x0], $0xffff;
	[tilespmem:s18+$0x600] =	vst v1  }
0x86: {  	v61 =	vmul.f32 v51, v13;
	v4 =	vadd.f32 v56, v4;
	[tilespmem:s31+$0xFFFFFE10] =	vst v38;
	v54 =	vld.idx.msk [tilespmem:v9+s17+$0x0], $0xffff;
	v9 =	vadd.s32 $0x4B0, v15  }
0x87: {  	v62 =	vmul.f32 v1, v17;
	v1 =	vadd.s32 $0x708, v45;
	[tilespmem:s0+$0xFFFFFC00] =	vst v5;
	v7 =	vld.idx.msk [tilespmem:v7+s17+$0x0], $0xffff;
	v42 =	vadd.f32 v60, v59  }
0x88: {  	v37 =	vmul.f32 v49, v24;
	v3 =	vadd.f32 v58, v3;
	v49 =	vmovc v19;
	v19 =	vmov v14;
	[tilespmem:s0+$0xFFFFFA20] =	vst v51;
	v58 =	vld [tilespmem:$0x1FFB0]  }
0x89: {  	v40 =	vmul.f32 v40, v13;
	v14 =	vld [tilespmem:s21+$0xFFFFFFF0];
	v4 =	vadd.f32 v52, v4;
	v63 =	vadd.f32 v62, v42;
	[tilespmem:s18+$0x630] =	vst v0  }
0x8a: {  	v50 =	vadd.s32 $0x960, v49;
	v62 =	vmul.f32 v2, v17;
	v0 =	vmul.f32 v0, v17;
	[tilespmem:s18+$0x610] =	vst v2;
	v2 =	vld.idx.msk [tilespmem:v44+s17+$0x0], $0xffff  }
0x8b: {  	v55 =	vmovc v38;
	v3 =	vadd.f32 v34, v3;
	v34 =	vmov v30;
	v30 =	vadd.s32 $0xBB8, v22;
	s18 =	smov.u32 s31;
	[tilespmem:s2+$0xFFFFFFE0] =	vst v63;
	v38 =	vld.idx.msk [tilespmem:v9+s17+$0x0], $0xffff  }
0x8c: {  	v52 =	vmov v20;
	v60 =	vmov v36;
	[tilespmem:s18+$0x220] =	vst v7;
	v0 =	vadd.f32 v0, v4;
	v1 =	vld.idx.msk [tilespmem:v1+s17+$0x0], $0xffff  }
0x8d: {  	v36 =	vadd.s32 $0xE10, v23;
	v51 =	vmul.f32 v7, v58;
	v3 =	vadd.f32 v62, v3;
	v7 =	vld.idx.msk [tilespmem:v18+s17+$0x0], $0xffff;
	[tilespmem:s18+$0x0] =	vst v6  }
0x8e: {  	v20 =	vmov v16;
	v39 =	vmul.f32 v6, v10;
	v16 =	vld [tilespmem:s21+$0x10];
	v6 =	vadd.s32 $0xBB8, v52;
	[tilespmem:s2+$0x10] =	vst v0  }
0x8f: {  	v59 =	vmov v35;
	v35 =	vld.idx.msk [tilespmem:v50+s17+$0x0], $0xffff;
	v4 =	vadd.f32 v40, v43;
	v40 =	vadd.s32 $0x258, v18;
	[tilespmem:s2+$0xFFFFFFF0] =	vst v3  }
0x90: {  	s31 =	smov.u32 s0;
	v0 =	vadd.s32 $0x4B0, v19;
	v56 =	vld.idx.msk [tilespmem:v30+s17+$0x0], $0xffff;
	[tilespmem:s18+$0x30] =	vst v54  }
0x91: {  	v3 =	vld.idx.msk [tilespmem:v14+s17+$0x0], $0xffff;
	[tilespmem:s31+$0xFFFFF830] =	vst v2  }
0x92: {  	v5 =	vmul.f32 v5, v25;
	s0 =	sadd.s32 $0x40, s0;
	v63 =	vadd.s32 $0xBB8, v49;
	v8 =	vmul.f32 v2, v11;
	v2 =	vld.idx.msk [tilespmem:v36+s17+$0x0], $0xffff;
	[tilespmem:s31+$0xFFFFFE00] =	vst v1  }
0x93: {  	v36 =	vadd.s32 $0x708, v15;
	v6 =	vld.idx.msk [tilespmem:v6+s17+$0x0], $0xffff;
	[tilespmem:s0+$0xFFFFF800] =	vst v7  }
0x94: {  	v47 =	vmul.f32 v47, v11;
	v4 =	vadd.f32 v5, v4;
	v5 =	vmul.f32 v1, v24;
	v40 =	vld.idx.msk [tilespmem:v40+s17+$0x0], $0xffff  }
0x95: {  	v42 =	vmul.f32 v54, v10;
	v46 =	vmul.f32 v35, v10;
	[tilespmem:s31+$0xFFFFFC20] =	vst v38;
	v10 =	vadd.f32 $0.0e+00, v28;
	v0 =	vld.idx.msk [tilespmem:v0+s17+$0x0], $0xffff  }
0x96: {  	v1 =	vmul.f32 v38, v25;
	v38 =	vadd.s32 $0x1068, v23;
	[tilespmem:s18+$0x10] =	vst v35;
	v30 =	vadd.f32 v5, v4;
	v4 =	vld.idx.msk [tilespmem:v31+s17+$0x0], $0xffff  }
0x97: {  	v50 =	vmul.f32 v56, v58;
	[tilespmem:s18+$0x200] =	vst v56;
	v56 =	vadd.f32 v29, v10;
	v54 =	vld.idx.msk [tilespmem:v63+s17+$0x0], $0xffff  }
0x98: {  	v5 =	vmul.f32 v3, v11;
	v11 =	vmul.f32 v7, v11;
	v7 =	vadd.s32 $0x4B0, v20;
	v10 =	vld.idx.msk [tilespmem:v36+s17+$0x0], $0xffff  }
0x99: {  	v12 =	vmul.f32 v2, v21;
	[tilespmem:s18+$0x420] =	vst v2;
	v2 =	vadd.f32 v32, v56;
	v32 =	vmov v1;
	v1 =	vld [tilespmem:$0x1FF60]  }
0x9a: {  	v53 =	vmul.f32 v53, v13;
	v43 =	vadd.s32 $0x258, v16;
	v28 =	vmovc v47;
	v63 =	vadd.s32 $0xE10, v52;
	[tilespmem:s0+$0xFFFFF810] =	vst v3;
	v47 =	vld.idx.msk [tilespmem:v57+s17+$0x0], $0xffff  }
0x9b: {  	v31 =	vmovc v43;
	v43 =	vadd.f32 $0.0e+00, v11;
	v11 =	vadd.s32 $0xE10, v22;
	[tilespmem:s31+$0xFFFFFC10] =	vst v0;
	v36 =	vmul.f32 v4, v13;
	v13 =	vld.idx.msk [tilespmem:v38+s17+$0x0], $0xffff  }
0x9c: {  	v62 =	vmov v41;
	v41 =	vadd.s32 $0x258, v14;
	[tilespmem:s31+$0xFFFFFA30] =	vst v4;
	v38 =	vld [tilespmem:$0x1FF80]  }
0x9d: {  	v35 =	vmul.f32 v0, v25;
	v0 =	vadd.s32 $0x708, v19;
	v7 =	vld.idx.msk [tilespmem:v7+s17+$0x0], $0xffff;
	[tilespmem:s18+$0x230] =	vst v6  }
0x9e: {  	v9 =	vadd.s32 $0x258, v57;
	v23 =	vmovc v15;
	v2 =	vadd.f32 v33, v2;
	v4 =	vadd.s32 $0xE10, v49;
	[tilespmem:s18+$0x210] =	vst v54  }
0x9f: {  	v15 =	vmovc v57;
	v29 =	vmovc v61;
	v61 =	vadd.s32 $0x960, v23;
	v1 =	vadd.f32 $0.0e+00, v1;
	v57 =	vld.idx.msk [tilespmem:v63+s17+$0x0], $0xffff;
	v63 =	vmov v5;
	[tilespmem:s31+$0xFFFFFE20] =	vst v10  }
0xa0: {  	v56 =	vmul.f32 v6, v58;
	v2 =	vadd.f32 v48, v2;
	[tilespmem:$0x1FF80] =	vst v63;
	v63 =	vld.idx.msk [tilespmem:v11+s17+$0x0], $0xffff  }
0xa1: {  	s20 =	sadd.s32 $0x40, s20;
	v44 =	vmovc v16;
	v5 =	vadd.s32 $0x708, v20;
	[tilespmem:s0+$0xFFFFF820] =	vst v47;
	v3 =	vadd.f32 v26, v1;
	v26 =	vmov v53;
	v53 =	vld.idx.msk [tilespmem:v41+s17+$0x0], $0xffff  }
0xa2: {  	p0 =	slt.u32 s20, $0x1C0;
	v58 =	vmul.f32 v54, v58;
	v2 =	vadd.f32 v51, v2;
	[tilespmem:s0+$0xFFFFFA00] =	vst v40;
	v54 =	vmov v38;
	v38 =	vld.idx.msk [tilespmem:v0+s17+$0x0], $0xffff  }
.Ltmp0:
0xa3: {  	v33 =	vmul.f32 v10, v24;
	v10 =	vadd.f32 $0.0e+00, v27;
	v27 =	vmovc v8;
	v1 =	vadd.s32 $0x1068, v22;
	v0 =	vld.idx.msk [tilespmem:v4+s17+$0x0], $0xffff;
	[tilespmem:$0x1FF60] =	vst v54;
	(pc) =	sbr.rel @p0 .LBB2_2-.Ltmp0, $4  }
0xa4: {  	v4 =	vmul.f32 v13, v17;
	v11 =	vadd.f32 v12, v2;
	v2 =	vadd.s32 $0x1068, v49;
	v54 =	vld.idx.msk [tilespmem:v61+s17+$0x0], $0xffff;
	[tilespmem:s18+$0x620] =	vst v13  }
0xa5: {  	v59 =	vadd.f32 v59, v3;
	v61 =	vadd.s32 $0x4B0, v18;
	v3 =	vadd.f32 v60, v10;
	[tilespmem:s31+$0xFFFFFC30] =	vst v7;
	v51 =	vld.idx.msk [tilespmem:v9+s17+$0x0], $0xffff  }
0xa6: {  	s3 =	sadd.s32 $0x40, s3;
	v22 =	vmovc v45;
	v41 =	vmul.f32 v7, v25;
	v60 =	vadd.s32 $0x1068, v52;
	v52 =	vmul.f32 v57, v21;
	v49 =	vld.idx.msk [tilespmem:v5+s17+$0x0], $0xffff  }
0xa7: {  	s21 =	sadd.s32 $0x40, s21;
	s2 =	smov.u32 s1;
	s1 =	smov.u32 s3;
	v62 =	vadd.f32 v62, v3;
	[tilespmem:s18+$0x400] =	vst v63;
	v3 =	vmul.f32 v55, v24;
	v55 =	vadd.f32 v4, v11  }
0xa8: {  	_ = 	snop  }
0xa9: {  	[tilespmem:s18+$0x430] =	vst v57  }
0xaa: {  	[tilespmem:s18+$0x410] =	vst v0  }
0xab: {  	v3 =	vadd.f32 v3, v59;
	v48 =	vld [tilespmem:$0x1FFE0]  }
0xac: {  	v1 =	vld.idx.msk [tilespmem:v1+s17+$0x0], $0xffff  }
0xad: {  	v4 =	vadd.f32 v37, v62;
	v3 =	vadd.f32 v46, v3;
	v46 =	vld [tilespmem:$0x1FFC0];
	[tilespmem:s2+$0x0] =	vst v55  }
0xae: {  	v5 =	vadd.f32 v39, v34;
	v6 =	vld.idx.msk [tilespmem:v60+s17+$0x0], $0xffff;
	[tilespmem:s31+$0x20] =	vst v54  }
0xaf: {  	v2 =	vld.idx.msk [tilespmem:v2+s17+$0x0], $0xffff;
	v4 =	vadd.f32 v42, v4;
	[tilespmem:s0+$0xFFFFFA10] =	vst v53  }
0xb0: {  	v57 =	vadd.s32 $0x960, v19;
	v5 =	vadd.f32 v50, v5;
	v55 =	vld.idx.msk [tilespmem:v61+s17+$0x0], $0xffff;
	[tilespmem:s31+$0xFFFFFE30] =	vst v49;
	v7 =	vmul.f32 v63, v48  }
0xb1: {  	v50 =	vadd.s32 $0xBB8, v23;
	[tilespmem:s31+$0xFFFFFE10] =	vst v38;
	v4 =	vadd.f32 v56, v4;
	v3 =	vadd.f32 v58, v3  }
0xb2: {  	[tilespmem:s18+$0x600] =	vst v1;
	v37 =	vmul.f32 v0, v48;
	v5 =	vadd.f32 v7, v5;
	v39 =	vmul.f32 v1, v46  }
0xb3: {  	[tilespmem:s18+$0x630] =	vst v6;
	v42 =	vadd.f32 v52, v4;
	v52 =	vadd.s32 $0x960, v22;
	v45 =	vmul.f32 v6, v46  }
0xb4: {  	[tilespmem:s18+$0x610] =	vst v2;
	v0 =	vadd.f32 v37, v3;
	v2 =	vmul.f32 v2, v46;
	v5 =	vadd.f32 v39, v5  }
0xb5: {  	v60 =	vld.idx.msk [tilespmem:v44+s17+$0x0], $0xffff;
	v56 =	vadd.s32 $0x960, v20;
	[tilespmem:s0+$0xFFFFFC00] =	vst v55;
	v1 =	vadd.f32 v45, v42  }
0xb6: {  	v58 =	vadd.s32 $0x708, v18;
	v3 =	vld.idx.msk [tilespmem:v50+s17+$0x0], $0xffff;
	v0 =	vadd.f32 v2, v0;
	[tilespmem:s2+$0xFFFFFFE0] =	vst v5  }
0xb7: {  	v2 =	vld.idx.msk [tilespmem:v57+s17+$0x0], $0xffff;
	[tilespmem:s2+$0x10] =	vst v1  }
0xb8: {  	[tilespmem:s2+$0xFFFFFFF0] =	vst v0;
	v4 =	vld.idx.msk [tilespmem:v52+s17+$0x0], $0xffff  }
0xb9: {  	v21 =	vld [tilespmem:$0x1FF90]  }
0xba: {  	v12 =	vadd.s32 $0x4B0, v14;
	v1 =	vld.idx.msk [tilespmem:v56+s17+$0x0], $0xffff  }
0xbb: {  	v59 =	vadd.s32 $0x4B0, v15;
	v5 =	vld.idx.msk [tilespmem:v58+s17+$0x0], $0xffff;
	[tilespmem:s0+$0xFFFFFA20] =	vst v51  }
0xbc: {  	v24 =	vld [tilespmem:$0x1FF70]  }
0xbd: {  	v17 =	vld [tilespmem:$0x1FFA0];
	[tilespmem:s31+$0x220] =	vst v3  }
0xbe: {  	v9 =	vadd.s32 $0xE10, v23;
	v39 =	vmul.f32 v47, v21;
	v47 =	vld [tilespmem:$0x1FFF0];
	[tilespmem:s31+$0x0] =	vst v4  }
0xbf: {  	v52 =	vld.idx.msk [tilespmem:v12+s17+$0x0], $0xffff;
	[tilespmem:s0+$0xFFFFF830] =	vst v60  }
0xc0: {  	v8 =	vadd.s32 $0xBB8, v22;
	v6 =	vld.idx.msk [tilespmem:v59+s17+$0x0], $0xffff;
	[tilespmem:s31+$0x30] =	vst v1  }
0xc1: {  	v61 =	vadd.s32 $0xBB8, v20;
	v50 =	vld [tilespmem:$0x1FFD0]  }
0xc2: {  	v62 =	vadd.s32 $0xBB8, v19;
	v25 =	vld.idx.msk [tilespmem:v31+s17+$0x0], $0xffff  }
0xc3: {  	v63 =	vadd.s32 $0x708, v15;
	v45 =	vadd.s32 $0x4B0, v16;
	v9 =	vld.idx.msk [tilespmem:v9+s17+$0x0], $0xffff  }
0xc4: {  	v34 =	vmul.f32 v53, v17;
	v53 =	vadd.f32 $0.0e+00, v28;
	v13 =	vmul.f32 v49, v47;
	v49 =	vld [tilespmem:$0x1FFB0];
	[tilespmem:s31+$0x10] =	vst v2  }
0xc5: {  	v10 =	vmul.f32 v54, v24;
	v11 =	vmul.f32 v40, v17;
	v8 =	vld.idx.msk [tilespmem:v8+s17+$0x0], $0xffff;
	v54 =	vadd.s32 $0x1068, v23;
	[tilespmem:s0+$0xFFFFFE00] =	vst v5  }
0xc6: {  	v56 =	vadd.s32 $0xE10, v22;
	v12 =	vadd.f32 v29, v53;
	[tilespmem:s0+$0xFFFFFC20] =	vst v6;
	v0 =	vmul.f32 v55, v50;
	v55 =	vld.idx.msk [tilespmem:v61+s17+$0x0], $0xffff  }
0xc7: {  	v31 =	vmul.f32 v60, v21;
	v57 =	vld.idx.msk [tilespmem:v62+s17+$0x0], $0xffff;
	[tilespmem:s0+$0xFFFFFA30] =	vst v25  }
0xc8: {  	v60 =	vadd.s32 $0x708, v14;
	v11 =	vadd.f32 v11, v43;
	[tilespmem:s31+$0x420] =	vst v9;
	v12 =	vadd.f32 v32, v12;
	v32 =	vld.idx.msk [tilespmem:v45+s17+$0x0], $0xffff  }
0xc9: {  	v43 =	vmul.f32 v1, v24;
	[tilespmem:s0+$0xFFFFFC10] =	vst v52;
	v1 =	vld.idx.msk [tilespmem:v63+s17+$0x0], $0xffff;
	v62 =	vadd.s32 $0x708, v16  }
0xca: {  	v58 =	vadd.s32 $0xE10, v20;
	v5 =	vmul.f32 v5, v47;
	[tilespmem:s31+$0x200] =	vst v8;
	v61 =	vld.idx.msk [tilespmem:v54+s17+$0x0], $0xffff;
	v0 =	vadd.f32 v0, v11  }
0xcb: {  	v37 =	vmul.f32 v51, v17;
	v4 =	vmul.f32 v4, v24;
	v28 =	vld.idx.msk [tilespmem:v56+s17+$0x0], $0xffff;
	v56 =	vadd.s32 $0x960, v18;
	[tilespmem:s31+$0x230] =	vst v55  }
0xcc: {  	v63 =	vadd.s32 $0x960, v15;
	v17 =	vmul.f32 v25, v17;
	v21 =	vadd.f32 v5, v0;
	v25 =	vld [tilespmem:$0x1FF60]  }
0xcd: {  	v59 =	vadd.s32 $0xE10, v19;
	v0 =	vmul.f32 v6, v50;
	v6 =	vmul.f32 v8, v49;
	v8 =	vld.idx.msk [tilespmem:v60+s17+$0x0], $0xffff;
	[tilespmem:s0+$0xFFFFFC30] =	vst v32  }
0xce: {  	v44 =	vadd.s32 $0x1068, v22;
	v51 =	vadd.s32 $0x1068, v20;
	v11 =	vmul.f32 v55, v49;
	[tilespmem:s31+$0x210] =	vst v57;
	v55 =	vld.idx.msk [tilespmem:v62+s17+$0x0], $0xffff  }
0xcf: {  	v4 =	vadd.f32 v4, v30;
	v12 =	vadd.f32 v33, v12;
	v29 =	vld.idx.msk [tilespmem:v58+s17+$0x0], $0xffff;
	[tilespmem:s0+$0xFFFFFE20] =	vst v1;
	v58 =	vadd.s32 $0x960, v16  }
0xd0: {  	v53 =	vadd.f32 $0.0e+00, v27;
	v7 =	vmul.f32 v61, v46;
	[tilespmem:s31+$0x620] =	vst v61;
	v61 =	vmul.f32 v38, v47;
	v38 =	vld.idx.msk [tilespmem:v56+s17+$0x0], $0xffff  }
0xd1: {  	v42 =	vmul.f32 v52, v50;
	v33 =	vmul.f32 v57, v49;
	[tilespmem:s31+$0x400] =	vst v28;
	v57 =	vld.idx.msk [tilespmem:v63+s17+$0x0], $0xffff;
	v25 =	vadd.f32 $0.0e+00, v25  }
0xd2: {  	v10 =	vadd.f32 v10, v12;
	v3 =	vmul.f32 v3, v49;
	v5 =	vld.idx.msk [tilespmem:v59+s17+$0x0], $0xffff;
	v62 =	vadd.s32 $0xBB8, v15;
	[tilespmem:s0+$0xFFFFFE10] =	vst v8  }
0xd3: {  	v54 =	vadd.s32 $0x1068, v19;
	v59 =	vld.idx.msk [tilespmem:v44+s17+$0x0], $0xffff;
	[tilespmem:s0+$0xFFFFFE30] =	vst v55;
	v52 =	vadd.f32 v26, v25;
	v25 =	vadd.f32 v36, v53  }
0xd4: {  	v9 =	vmul.f32 v9, v48;
	v60 =	vadd.s32 $0x960, v14;
	v3 =	vadd.f32 v3, v10;
	[tilespmem:s31+$0x430] =	vst v29;
	v40 =	vld.idx.msk [tilespmem:v58+s17+$0x0], $0xffff  }
0xd5: {  	v2 =	vmul.f32 v2, v24;
	v44 =	vadd.s32 $0xBB8, v16;
	[tilespmem:s0+$0x0] =	vst v38;
	v25 =	vadd.f32 v41, v25  }
0xd6: {  	v1 =	vmul.f32 v1, v47;
	v3 =	vadd.f32 v9, v3;
	v12 =	vld.idx.msk [tilespmem:v51+s17+$0x0], $0xffff;
	[tilespmem:s0+$0x20] =	vst v57;
	v41 =	vadd.s32 $0xBB8, v18  }
0xd7: {  	v4 =	vadd.f32 v6, v4;
	[tilespmem:s31+$0x410] =	vst v5;
	v26 =	vld.idx.msk [tilespmem:v62+s17+$0x0], $0xffff;
	v13 =	vadd.f32 v13, v25  }
0xd8: {  	v45 =	vmul.f32 v28, v48;
	v3 =	vadd.f32 v7, v3;
	[tilespmem:s31+$0x600] =	vst v59;
	v63 =	vld.idx.msk [tilespmem:v54+s17+$0x0], $0xffff  }
0xd9: {  	v32 =	vmul.f32 v32, v50;
	[tilespmem:s0+$0x30] =	vst v40;
	v13 =	vadd.f32 v43, v13;
	v43 =	vld.idx.msk [tilespmem:v60+s17+$0x0], $0xffff  }
0xda: {  	v50 =	vadd.s32 $0xBB8, v14;
	v56 =	vadd.s32 $0xE10, v18;
	v4 =	vadd.f32 v45, v4;
	[tilespmem:s1+$0x0] =	vst v3;
	v22 =	vld.idx.msk [tilespmem:v44+s17+$0x0], $0xffff  }
0xdb: {  	v8 =	vmul.f32 v8, v47;
	v23 =	vmul.f32 v57, v24;
	v57 =	vadd.f32 $0.0e+00, v39;
	[tilespmem:s31+$0x630] =	vst v12;
	v54 =	vld.idx.msk [tilespmem:v41+s17+$0x0], $0xffff  }
0xdc: {  	v29 =	vmul.f32 v29, v48;
	v5 =	vmul.f32 v5, v48;
	v51 =	vadd.s32 $0xE10, v15;
	[tilespmem:s0+$0x220] =	vst v26  }
0xdd: {  	v10 =	vmul.f32 v55, v47;
	v62 =	vmul.f32 v38, v24;
	v6 =	vadd.f32 v37, v57;
	[tilespmem:s31+$0x610] =	vst v63  }
0xde: {  	v36 =	vadd.f32 $0.0e+00, v31;
	v20 =	vadd.f32 v35, v52;
	v52 =	vmul.f32 v59, v46;
	[tilespmem:s0+$0x10] =	vst v43  }
0xdf: {  	v58 =	vadd.s32 $0xE10, v16;
	v3 =	vadd.f32 v62, v21;
	v0 =	vadd.f32 v0, v6;
	[tilespmem:s0+$0x230] =	vst v22  }
0xe0: {  	v39 =	vadd.s32 $0x1068, v18;
	v35 =	vadd.f32 v61, v20;
	v4 =	vadd.f32 v52, v4;
	v28 =	vld.idx.msk [tilespmem:v50+s17+$0x0], $0xffff;
	[tilespmem:s0+$0x200] =	vst v54  }
0xe1: {  	v59 =	vmul.f32 v12, v46;
	v61 =	vadd.s32 $0xE10, v14;
	v0 =	vadd.f32 v1, v0;
	v37 =	vld [tilespmem:$0x1FF80]  }
0xe2: {  	v55 =	vmul.f32 v63, v46;
	v2 =	vadd.f32 v2, v35;
	v60 =	vld.idx.msk [tilespmem:v51+s17+$0x0], $0xffff;
	v41 =	vadd.f32 v17, v36  }
0xe3: {  	v63 =	vadd.s32 $0x1068, v15;
	v0 =	vadd.f32 v23, v0;
	v11 =	vadd.f32 v11, v13  }
0xe4: {  	v2 =	vadd.f32 v33, v2;
	v33 =	vmul.f32 v26, v49;
	v12 =	vadd.f32 v32, v41;
	v38 =	vld.idx.msk [tilespmem:v58+s17+$0x0], $0xffff  }
0xe5: {  	v53 =	vadd.f32 v29, v11;
	v19 =	vmul.f32 v43, v24;
	v43 =	vadd.s32 $0x1068, v16;
	v35 =	vld.idx.msk [tilespmem:v56+s17+$0x0], $0xffff  }
0xe6: {  	v30 =	vmul.f32 v40, v24;
	v2 =	vadd.f32 v5, v2;
	[tilespmem:s0+$0x210] =	vst v28;
	v24 =	vadd.f32 $0.0e+00, v37  }
0xe7: {  	v0 =	vadd.f32 v33, v0;
	v44 =	vmul.f32 v60, v48;
	[tilespmem:s0+$0x420] =	vst v60;
	v40 =	vld.idx.msk [tilespmem:v61+s17+$0x0], $0xffff  }
0xe8: {  	v51 =	vadd.s32 $0x1068, v14;
	v10 =	vadd.f32 v10, v12;
	[tilespmem:s1+$0xFFFFFFE0] =	vst v4;
	v45 =	vld.idx.msk [tilespmem:v63+s17+$0x0], $0xffff;
	v50 =	vadd.f32 v34, v24  }
0xe9: {  	v52 =	vmul.f32 v22, v49;
	v2 =	vadd.f32 v55, v2;
	v7 =	vadd.f32 v59, v53;
	[tilespmem:s0+$0x430] =	vst v38  }
0xea: {  	v9 =	vadd.f32 v30, v10;
	[tilespmem:s0+$0x400] =	vst v35;
	v55 =	vld.idx.msk [tilespmem:v43+s17+$0x0], $0xffff;
	v13 =	vadd.f32 v42, v50  }
0xeb: {  	v11 =	vmul.f32 v54, v49;
	v0 =	vadd.f32 v44, v0;
	[tilespmem:s1+$0x10] =	vst v7;
	v54 =	vld.idx.msk [tilespmem:v39+s17+$0x0], $0xffff  }
0xec: {  	v7 =	vadd.f32 v52, v9;
	v59 =	vmul.f32 v38, v48;
	[tilespmem:s0+$0x410] =	vst v40;
	v8 =	vadd.f32 v8, v13  }
0xed: {  	v3 =	vadd.f32 v11, v3;
	v6 =	vmul.f32 v35, v48;
	v56 =	vmul.f32 v45, v46;
	v57 =	vld.idx.msk [tilespmem:v51+s17+$0x0], $0xffff  }
0xee: {  	[tilespmem:s1+$0xFFFFFFF0] =	vst v2;
	v53 =	vmul.f32 v28, v49;
	v5 =	vadd.f32 v59, v7;
	v58 =	vadd.f32 v19, v8  }
0xef: {  	[tilespmem:s0+$0x620] =	vst v45;
	v3 =	vadd.f32 v6, v3;
	v0 =	vadd.f32 v56, v0;
	v61 =	vmul.f32 v55, v46  }
0xf0: {  	s20 =	sadd.s32 $0x40, s3;
	v1 =	vmul.f32 v40, v48;
	[tilespmem:s0+$0x630] =	vst v55;
	v60 =	vmul.f32 v54, v46;
	v2 =	vadd.f32 v53, v58  }
0xf1: {  	[tilespmem:s20+$0x0] =	vst v0;
	v63 =	vadd.f32 v61, v5  }
0xf2: {  	[tilespmem:s0+$0x600] =	vst v54;
	v3 =	vadd.f32 v60, v3;
	v62 =	vmul.f32 v57, v46;
	v1 =	vadd.f32 v1, v2  }
0xf3: {  	[tilespmem:s20+$0x10] =	vst v63  }
0xf4: {  	[tilespmem:s20+$0xFFFFFFE0] =	vst v3;
	v1 =	vadd.f32 v62, v1  }
0xf5: {  	[tilespmem:s0+$0x610] =	vst v57  }
0xf6: {  	s21 =	simm.s32 $0x26D0;
	[tilespmem:s20+$0xFFFFFFF0] =	vst v1  }
0xf7: {  	[hbm4b:s6+s4] =	stream.linear.scatter [tilespmem:s21], [sflag:$0x1], $0x200, $0x38;
	[tilespmem:$0x28D0] =	vst v63  }
0xf8: {  	_ =	swait.ge [sflag:s16], $0x200  }
0xf9: {  	[sflag:s16] =	ssyncset.done $0x0  }
0xfa: {  	s31 =	simm.s32 $0x16D0;
	[sflag:s16] =	ssyncadd.s32 $0xFFFFFE00  }
0xfb: {  	[hbm4b:s7+s4] =	stream.linear.scatter [tilespmem:s31], [sflag:$0x1], $0x200, $0x38;
	[tilespmem:$0x28D0] =	vst v63  }
0xfc: {  	_ =	swait.ge [sflag:s16], $0x200  }
0xfd: {  	[sflag:s16] =	ssyncset.done $0x0  }
0xfe: {  	[sflag:s16] =	ssyncadd.s32 $0xFFFFFE00  }
0xff: {  	[hbm4b:s8+s4] =	stream.linear.scatter [tilespmem:s22], [sflag:$0x1], $0x200, $0x38;
	[tilespmem:$0x28D0] =	vst v63  }
0x100: {  	_ =	swait.ge [sflag:s16], $0x200  }
0x101: {  	[sflag:s16] =	ssyncset.done $0x0  }
0x102: {  	[sflag:s16] =	ssyncadd.s32 $0xFFFFFE00  }
0x103: {  	[hbm4b:s9+s4] =	stream.linear.scatter [tilespmem:s23], [sflag:$0x1], $0x200, $0x38;
	[tilespmem:$0x28D0] =	vst v63  }
0x104: {  	_ =	swait.ge [sflag:s16], $0x200  }
0x105: {  	[sflag:s16] =	ssyncset.done $0x0  }
0x106: {  	[sflag:s16] =	ssyncadd.s32 $0xFFFFFE00  }
0x107: {  	[hbm4b:s10+s4] =	stream.linear.scatter [tilespmem:s24], [sflag:$0x1], $0x200, $0x38;
	[tilespmem:$0x28D0] =	vst v63  }
0x108: {  	_ =	swait.ge [sflag:s16], $0x200  }
0x109: {  	[sflag:s16] =	ssyncset.done $0x0  }
0x10a: {  	[sflag:s16] =	ssyncadd.s32 $0xFFFFFE00  }
0x10b: {  	[hbm4b:s11+s4] =	stream.linear.scatter [tilespmem:s25], [sflag:$0x1], $0x200, $0x38;
	[tilespmem:$0x28D0] =	vst v63  }
0x10c: {  	_ =	swait.ge [sflag:s16], $0x200  }
0x10d: {  	[sflag:s16] =	ssyncset.done $0x0  }
0x10e: {  	[sflag:s16] =	ssyncadd.s32 $0xFFFFFE00  }
0x10f: {  	[hbm4b:s12+s4] =	stream.linear.scatter [tilespmem:s26], [sflag:$0x1], $0x200, $0x38;
	[tilespmem:$0x28D0] =	vst v63  }
0x110: {  	_ =	swait.ge [sflag:s16], $0x200  }
0x111: {  	[sflag:s16] =	ssyncset.done $0x0  }
0x112: {  	[sflag:s16] =	ssyncadd.s32 $0xFFFFFE00  }
0x113: {  	[hbm4b:s13+s4] =	stream.linear.scatter [tilespmem:s28], [sflag:$0x1], $0x200, $0x38;
	[tilespmem:$0x28D0] =	vst v63  }
0x114: {  	s30 =	sadd.s32 $0x1, s30;
	_ =	swait.ge [sflag:s16], $0x200  }
0x115: {  	p0 =	sne.s32 s30, s15;
	[sflag:s16] =	ssyncset.done $0x0  }
.Ltmp1:
0x116: {  	[sflag:s16] =	ssyncadd.s32 $0xFFFFFE00;
	(pc) =	sbr.rel @p0 .LBB2_1-.Ltmp1, $4  }
0x117: {  	[hbm4b:s14+s4] =	stream.linear.scatter [tilespmem:s29], [sflag:$0x1], $0x200, $0x38;
	[tilespmem:$0x28D0] =	vst v63  }
0x118: {  	_ =	swait.ge [sflag:s16], $0x200  }
0x119: {  	[sflag:s16] =	ssyncset.done $0x0  }
0x11a: {  	[sflag:s16] =	ssyncadd.s32 $0xFFFFFE00  }
0x11b: {  	_ =	sfence.sel $0x180000  }
0x11c: {  	[bflag:$0x0] =	sbarrier.arrive $0xFFFF  }
0x11d: {  	_ =	strace $0x90000047  }
0x11e: {  	s0 =	stileid.u32;
	[bflag:$0x2] =	sbarrier.arrive $0xFFFF  }
0x11f: {  	p0 =	sne.s32 s0, $0x0;
	s0 =	rddreg [dreg:$0x5]  }
0x120: {  	s0 =	sadd.s32 @!p0 $0x100000, s0  }
0x121: {  	[sflag:s0] =	ssyncadd.tile.s32 @!p0 $0x1;
	_ =	shalt  }
.Lfunc_end2:
_tile_overlayer_lowered:
.L_overlay_start_2:
0x122: {  	(tag) =	ssettag $0x2  }
0x123: {  	s0 =	rddreg [dreg:$0x0];
	s2 =	stileid.u32  }
0x124: {  	s1 =	rddreg [dreg:$0x1];
	p0 =	sne.s32 s2, $0x0  }
0x125: {  	s3 =	rddreg [dreg:$0x2];
	[bflag:$0x3] =	sbarrier.arrive $0xFFFF;
	s2 =	simm.s32 @!p0 $0x1C01  }
0x126: {  	[timem:s3], [sflag:s2] =	dma.local @!p0 [hbm:s0], s1  }
0x127: {  	s0 =	simm.s32 @!p0 $0x1  }
0x128: {  	_ =	swait.ge @!p0 [sflag:s0], s1  }
0x129: {  	s1 =	ssub.s32 @!p0 $0x0, s1;
	[sflag:s0] =	ssyncset.done @!p0 $0x0  }
0x12a: {  	[sflag:s0] =	ssyncadd.s32 @!p0 s1  }
0x12b: {  	[bflag:$0x3] =	sbarrier.arrive $0xFFFF  }
0x12c: {  	_ =	shalt  }

</sc_bundles>
